<compile_context>
chip_gen: v7x
topology: tpu7x:2x2x1
jax: 0.10.2.dev20260603
libtpu: 0.0.44.dev20260713+nightly
codegen_flags: <defaults>
</compile_context>

<pallas_src>
import functools

import jax
import jax.numpy as jnp
from jax import lax
from jax.experimental import pallas as pl
from jax.experimental.pallas import tpu as pltpu
from jax.experimental.pallas import tpu_sc as plsc

D_MODEL = 64
SCALE = 8.0
NCORES = 2
NSUB = 16
NW = NCORES * NSUB
SUB = 128
CHUNK = 256
RSUB = CHUNK // SUB
LANES = 16
RU = 8


def _fire_gathers(table_hbm, idx_v, gbuf, gsem, g):
    for j in range(RSUB):
        pltpu.async_copy(
            table_hbm.at[idx_v.at[g * RSUB + j]],
            gbuf.at[pl.ds(j * SUB, SUB)],
            gsem,
        )


def _wait_gathers(out_hbm, gbuf, gsem):
    pltpu.make_async_copy(
        out_hbm.at[pl.ds(0, CHUNK), pl.ds(0, D_MODEL)], gbuf, gsem).wait()


def _scale_chunk(gbuf, obuf):
    def row_body(i, c):
        r0 = i * RU
        for u in range(RU):
            for col in range(D_MODEL // LANES):
                sl = pl.ds(col * LANES, LANES)
                obuf[r0 + u, sl] = gbuf[r0 + u, sl] * SCALE
        return c
    lax.fori_loop(0, CHUNK // RU, row_body, 0)


def _emb_body(x_hbm, table_hbm, out_hbm,
              idx_v, gbuf0, gbuf1, obuf0, obuf1,
              gsem0, gsem1, osem0, osem1):
    nrows_w = x_hbm.shape[0] // NW
    rows_per_w = nrows_w * SUB
    nchunk = rows_per_w // CHUNK
    wid = lax.axis_index("s") * NCORES + lax.axis_index("c")
    base = wid * rows_per_w

    gbufs = (gbuf0, gbuf1)
    obufs = (obuf0, obuf1)
    gsems = (gsem0, gsem1)
    osems = (osem0, osem1)

    pltpu.sync_copy(x_hbm.at[pl.ds(wid * nrows_w, nrows_w)], idx_v)

    for b in range(2):
        _fire_gathers(table_hbm, idx_v, gbufs[b], gsems[b], b)

    def body(i, carry):
        for b in range(2):
            g = 2 * i + b
            _wait_gathers(out_hbm, gbufs[b], gsems[b])

            @pl.when(i >= 1)
            def _():
                pltpu.make_async_copy(
                    obufs[b],
                    out_hbm.at[pl.ds(base, CHUNK), pl.ds(0, D_MODEL)],
                    osems[b]).wait()

            _scale_chunk(gbufs[b], obufs[b])

            @pl.when(g + 2 < nchunk)
            def _():
                _fire_gathers(table_hbm, idx_v, gbufs[b], gsems[b], g + 2)

            pltpu.async_copy(
                obufs[b],
                out_hbm.at[pl.ds(base + g * CHUNK, CHUNK), pl.ds(0, D_MODEL)],
                osems[b])
        return carry

    lax.fori_loop(0, nchunk // 2, body, 0)

    for b in range(2):
        pltpu.make_async_copy(
            obufs[b],
            out_hbm.at[pl.ds(base, CHUNK), pl.ds(0, D_MODEL)],
            osems[b]).wait()


@functools.partial(jax.jit, static_argnames=())
def kernel(x, table):
    b_total = x.size
    xf = x.reshape(b_total // SUB, SUB)
    mesh = plsc.VectorSubcoreMesh(core_axis_name="c", subcore_axis_name="s")
    nrows_w = xf.shape[0] // NW
    run = pl.kernel(
        _emb_body,
        mesh=mesh,
        out_type=jax.ShapeDtypeStruct((b_total, 2 * D_MODEL), jnp.float32),
        scratch_types=[
            pltpu.VMEM((nrows_w, SUB), jnp.int32),
            pltpu.VMEM((CHUNK, D_MODEL), jnp.float32),
            pltpu.VMEM((CHUNK, D_MODEL), jnp.float32),
            pltpu.VMEM((CHUNK, D_MODEL), jnp.float32),
            pltpu.VMEM((CHUNK, D_MODEL), jnp.float32),
            pltpu.SemaphoreType.DMA,
            pltpu.SemaphoreType.DMA,
            pltpu.SemaphoreType.DMA,
            pltpu.SemaphoreType.DMA,
        ],
        compiler_params=pltpu.CompilerParams(use_tc_tiling_on_sc=False),
    )
    out = run(xf, table)
    return out[:, :D_MODEL].reshape(x.shape + (D_MODEL,))

# --- scband reference (transcript-rebuilt; emitter-appended) ---
"""Pipeline reference for scband-input-embeddings-5849745457180 (READ-ONLY COPY).

The authoritative reference and input builder live on the scoring server;
editing this copy changes nothing except your own understanding.
"""

import jax, jax.numpy as jnp
import numpy as np
import math

VOCAB = 1000000
D_MODEL = 64

def setup_inputs(seed: int = 0) -> dict:
    key = jax.random.key(seed)
    k1, k2 = jax.random.split(key)
    x = jax.random.randint(k1, (4096, 200), 0, VOCAB, dtype=jnp.int64 if jax.config.jax_enable_x64 else jnp.int32).astype(jnp.int32)
    table = jax.random.normal(k2, (VOCAB, D_MODEL), dtype=jnp.float32)
    return {"x": x, "table": table}

def reference(x, table):
    # nn.Embedding lookup followed by sqrt(d_model) scaling
    emb = jnp.take(table, x, axis=0)
    return emb * math.sqrt(D_MODEL)

if __name__ == "__main__":
    import jax
    _d = setup_inputs()
    print(jax.jit(kernel)(*tuple(_d.values())))

</pallas_src>

<mosaic_0001>
#map = affine_map<(d0, d1) -> (0, 0)>
module attributes {stable_mosaic.version = 14 : i64} {
  func.func @_emb_body(%arg0: i32, %arg1: i32, %arg2: memref<6400x128xi32, #tpu.memory_space<hbm>>, %arg3: memref<1000000x64xf32, #tpu.memory_space<hbm>>, %arg4: memref<819200x128xf32, #tpu.memory_space<hbm>>, %arg5: memref<200x128xi32, #tpu.memory_space<vmem>>, %arg6: memref<256x64xf32, #tpu.memory_space<vmem>>, %arg7: memref<256x64xf32, #tpu.memory_space<vmem>>, %arg8: memref<256x64xf32, #tpu.memory_space<vmem>>, %arg9: memref<256x64xf32, #tpu.memory_space<vmem>>, %arg10: memref<!tpu.dma_semaphore, #tpu.memory_space<semaphore_mem>>, %arg11: memref<!tpu.dma_semaphore, #tpu.memory_space<semaphore_mem>>, %arg12: memref<!tpu.dma_semaphore, #tpu.memory_space<semaphore_mem>>, %arg13: memref<!tpu.dma_semaphore, #tpu.memory_space<semaphore_mem>>) attributes {dimension_semantics = [#tpu.dimension_semantics<core_parallel>, #tpu.dimension_semantics<subcore_parallel>], iteration_bounds = array<i64: 2, 16>, scalar_prefetch = 0 : i64, scratch_operands = 9 : i64, tpu.core_type = #tpu.core_type<sc_vector_subcore>, window_params = [{transform_indices = #map}, {transform_indices = #map}, {transform_indices = #map}]} {
    %mul3A = arith.constant 2 : i32
    %mul3A_0 = arith.muli %arg1, %mul3A : i32
    %add3A = arith.addi %mul3A_0, %arg0 : i32
    %mul3A_1 = arith.constant 25600 : i32
    %mul3A_2 = arith.muli %add3A, %mul3A_1 : i32
    %mul3A_3 = arith.constant 200 : i32
    %mul3A_4 = arith.muli %add3A, %mul3A_3 : i32
    "tpu.region"() ({
      %run_scoped3A = tpu.sem_alloc : memref<!tpu.dma_semaphore, #tpu.memory_space<semaphore_mem>>
      %dma_start3A_56 = arith.constant 0 : i32
      %dma_start3A_57 = tpu.memref_slice %arg2[%mul3A_4, %dma_start3A_56] : memref<6400x128xi32, #tpu.memory_space<hbm>> -> memref<200x128xi32, #tpu.memory_space<hbm>>
      %dma_start3A_58 = arith.constant 0 : i32
      %dma_start3A_59 = tpu.memref_slice %arg2[%mul3A_4, %dma_start3A_58] : memref<6400x128xi32, #tpu.memory_space<hbm>> -> memref<200x128xi32, #tpu.memory_space<hbm>>
      tpu.enqueue_dma source(%dma_start3A_59 : memref<200x128xi32, #tpu.memory_space<hbm>>) target(%arg5 : memref<200x128xi32, #tpu.memory_space<vmem>>) target_semaphore(%run_scoped3A : memref<!tpu.dma_semaphore, #tpu.memory_space<semaphore_mem>>)
      %dma_wait3A_60 = arith.constant 0 : i32
      %dma_wait3A_61 = tpu.memref_slice %arg2[%mul3A_4, %dma_wait3A_60] : memref<6400x128xi32, #tpu.memory_space<hbm>> -> memref<200x128xi32, #tpu.memory_space<hbm>>
      %dma_wait3A_62 = arith.constant 0 : i32
      %dma_wait3A_63 = tpu.memref_slice %arg2[%mul3A_4, %dma_wait3A_62] : memref<6400x128xi32, #tpu.memory_space<hbm>> -> memref<200x128xi32, #tpu.memory_space<hbm>>
      tpu.wait_dma2 semaphore(%run_scoped3A : memref<!tpu.dma_semaphore, #tpu.memory_space<semaphore_mem>>) src(%dma_wait3A_63 : memref<200x128xi32, #tpu.memory_space<hbm>>) dst(%arg5 : memref<200x128xi32, #tpu.memory_space<vmem>>)
      tpu.yield
    }) : () -> ()
    %dma_start3A = arith.constant 0 : i32
    %dma_start3A_5 = arith.constant 0 : i32
    %dma_start3A_6 = arith.constant 0 : i32
    %dma_start3A_7 = tpu.memref_slice %arg6[%dma_start3A_5, %dma_start3A_6] : memref<256x64xf32, #tpu.memory_space<vmem>> -> memref<128x64xf32, #tpu.memory_space<vmem>>
    %dma_start3A_8 = arith.constant 0 : i32
    %dma_start3A_9 = tpu.memref_slice %arg5[%dma_start3A, %dma_start3A_8] : memref<200x128xi32, #tpu.memory_space<vmem>> -> memref<1x128xi32, #tpu.memory_space<vmem>>
    %dma_start3A_10 = tpu.memref_squeeze %dma_start3A_9 : memref<1x128xi32, #tpu.memory_space<vmem>> -> memref<128xi32, #tpu.memory_space<vmem>>
    %dma_start3A_11 = arith.constant 0 : i32
    %dma_start3A_12 = arith.constant 0 : i32
    %dma_start3A_13 = tpu.memref_slice %arg3[%dma_start3A_11, %dma_start3A_12] : memref<1000000x64xf32, #tpu.memory_space<hbm>> -> memref<1000000x64xf32, #tpu.memory_space<hbm>>
    tpu.enqueue_indirect_dma source(%dma_start3A_13 : memref<1000000x64xf32, #tpu.memory_space<hbm>>) target(%dma_start3A_7 : memref<128x64xf32, #tpu.memory_space<vmem>>) offsets(%dma_start3A_10 : memref<128xi32, #tpu.memory_space<vmem>>) semaphore(%arg10 : memref<!tpu.dma_semaphore, #tpu.memory_space<semaphore_mem>>)
    %dma_start3A_14 = arith.constant 1 : i32
    %dma_start3A_15 = arith.constant 128 : i32
    %dma_start3A_16 = arith.constant 0 : i32
    %dma_start3A_17 = tpu.memref_slice %arg6[%dma_start3A_15, %dma_start3A_16] : memref<256x64xf32, #tpu.memory_space<vmem>> -> memref<128x64xf32, #tpu.memory_space<vmem>>
    %dma_start3A_18 = arith.constant 0 : i32
    %dma_start3A_19 = tpu.memref_slice %arg5[%dma_start3A_14, %dma_start3A_18] : memref<200x128xi32, #tpu.memory_space<vmem>> -> memref<1x128xi32, #tpu.memory_space<vmem>>
    %dma_start3A_20 = tpu.memref_squeeze %dma_start3A_19 : memref<1x128xi32, #tpu.memory_space<vmem>> -> memref<128xi32, #tpu.memory_space<vmem>>
    %dma_start3A_21 = arith.constant 0 : i32
    %dma_start3A_22 = arith.constant 0 : i32
    %dma_start3A_23 = tpu.memref_slice %arg3[%dma_start3A_21, %dma_start3A_22] : memref<1000000x64xf32, #tpu.memory_space<hbm>> -> memref<1000000x64xf32, #tpu.memory_space<hbm>>
    tpu.enqueue_indirect_dma source(%dma_start3A_23 : memref<1000000x64xf32, #tpu.memory_space<hbm>>) target(%dma_start3A_17 : memref<128x64xf32, #tpu.memory_space<vmem>>) offsets(%dma_start3A_20 : memref<128xi32, #tpu.memory_space<vmem>>) semaphore(%arg10 : memref<!tpu.dma_semaphore, #tpu.memory_space<semaphore_mem>>)
    %dma_start3A_24 = arith.constant 2 : i32
    %dma_start3A_25 = arith.constant 0 : i32
    %dma_start3A_26 = arith.constant 0 : i32
    %dma_start3A_27 = tpu.memref_slice %arg7[%dma_start3A_25, %dma_start3A_26] : memref<256x64xf32, #tpu.memory_space<vmem>> -> memref<128x64xf32, #tpu.memory_space<vmem>>
    %dma_start3A_28 = arith.constant 0 : i32
    %dma_start3A_29 = tpu.memref_slice %arg5[%dma_start3A_24, %dma_start3A_28] : memref<200x128xi32, #tpu.memory_space<vmem>> -> memref<1x128xi32, #tpu.memory_space<vmem>>
    %dma_start3A_30 = tpu.memref_squeeze %dma_start3A_29 : memref<1x128xi32, #tpu.memory_space<vmem>> -> memref<128xi32, #tpu.memory_space<vmem>>
    %dma_start3A_31 = arith.constant 0 : i32
    %dma_start3A_32 = arith.constant 0 : i32
    %dma_start3A_33 = tpu.memref_slice %arg3[%dma_start3A_31, %dma_start3A_32] : memref<1000000x64xf32, #tpu.memory_space<hbm>> -> memref<1000000x64xf32, #tpu.memory_space<hbm>>
    tpu.enqueue_indirect_dma source(%dma_start3A_33 : memref<1000000x64xf32, #tpu.memory_space<hbm>>) target(%dma_start3A_27 : memref<128x64xf32, #tpu.memory_space<vmem>>) offsets(%dma_start3A_30 : memref<128xi32, #tpu.memory_space<vmem>>) semaphore(%arg11 : memref<!tpu.dma_semaphore, #tpu.memory_space<semaphore_mem>>)
    %dma_start3A_34 = arith.constant 3 : i32
    %dma_start3A_35 = arith.constant 128 : i32
    %dma_start3A_36 = arith.constant 0 : i32
    %dma_start3A_37 = tpu.memref_slice %arg7[%dma_start3A_35, %dma_start3A_36] : memref<256x64xf32, #tpu.memory_space<vmem>> -> memref<128x64xf32, #tpu.memory_space<vmem>>
    %dma_start3A_38 = arith.constant 0 : i32
    %dma_start3A_39 = tpu.memref_slice %arg5[%dma_start3A_34, %dma_start3A_38] : memref<200x128xi32, #tpu.memory_space<vmem>> -> memref<1x128xi32, #tpu.memory_space<vmem>>
    %dma_start3A_40 = tpu.memref_squeeze %dma_start3A_39 : memref<1x128xi32, #tpu.memory_space<vmem>> -> memref<128xi32, #tpu.memory_space<vmem>>
    %dma_start3A_41 = arith.constant 0 : i32
    %dma_start3A_42 = arith.constant 0 : i32
    %dma_start3A_43 = tpu.memref_slice %arg3[%dma_start3A_41, %dma_start3A_42] : memref<1000000x64xf32, #tpu.memory_space<hbm>> -> memref<1000000x64xf32, #tpu.memory_space<hbm>>
    tpu.enqueue_indirect_dma source(%dma_start3A_43 : memref<1000000x64xf32, #tpu.memory_space<hbm>>) target(%dma_start3A_37 : memref<128x64xf32, #tpu.memory_space<vmem>>) offsets(%dma_start3A_40 : memref<128xi32, #tpu.memory_space<vmem>>) semaphore(%arg11 : memref<!tpu.dma_semaphore, #tpu.memory_space<semaphore_mem>>)
    %scan3A = arith.constant 0 : i32
    %scan3A_44 = arith.constant 0 : i32
    %scan3A_45 = arith.constant 50 : i32
    %scan3A_46 = arith.addi %scan3A_44, %scan3A_45 : i32
    %scan3A_47 = arith.constant 1 : i32
    scf.for %scan3A_56 = %scan3A_44 to %scan3A_46 step %scan3A_47  : i32 {
      %mul3A_57 = arith.constant 2 : i32
      %mul3A_58 = arith.muli %mul3A_57, %scan3A_56 : i32
      %add3A_59 = arith.constant 0 : i32
      %add3A_60 = arith.addi %mul3A_58, %add3A_59 : i32
      %dma_wait3A_61 = arith.constant 0 : i32
      %dma_wait3A_62 = arith.constant 0 : i32
      %dma_wait3A_63 = tpu.memref_slice %arg4[%dma_wait3A_61, %dma_wait3A_62] : memref<819200x128xf32, #tpu.memory_space<hbm>> -> memref<256x64xf32, #tpu.memory_space<hbm>>
      %dma_wait3A_64 = arith.constant 0 : i32
      %dma_wait3A_65 = arith.constant 0 : i32
      %dma_wait3A_66 = tpu.memref_slice %arg4[%dma_wait3A_64, %dma_wait3A_65] : memref<819200x128xf32, #tpu.memory_space<hbm>> -> memref<256x64xf32, #tpu.memory_space<hbm>>
      tpu.wait_dma2 semaphore(%arg10 : memref<!tpu.dma_semaphore, #tpu.memory_space<semaphore_mem>>) src(%dma_wait3A_66 : memref<256x64xf32, #tpu.memory_space<hbm>>) dst(%arg6 : memref<256x64xf32, #tpu.memory_space<vmem>>)
      %ge3A = arith.constant 1 : i32
      %ge3A_67 = arith.cmpi sge, %scan3A_56, %ge3A : i32
      %convert_element_type3A = arith.extui %ge3A_67 : i1 to i32
      %cond3A = arith.constant 0 : i32
      %cond3A_68 = arith.cmpi ne, %convert_element_type3A, %cond3A : i32
      scf.if %cond3A_68 {
        %dma_wait3A_123 = arith.constant 0 : i32
        %dma_wait3A_124 = tpu.memref_slice %arg4[%mul3A_2, %dma_wait3A_123] : memref<819200x128xf32, #tpu.memory_space<hbm>> -> memref<256x64xf32, #tpu.memory_space<hbm>>
        %dma_wait3A_125 = arith.constant 0 : i32
        %dma_wait3A_126 = tpu.memref_slice %arg4[%mul3A_2, %dma_wait3A_125] : memref<819200x128xf32, #tpu.memory_space<hbm>> -> memref<256x64xf32, #tpu.memory_space<hbm>>
        tpu.wait_dma2 semaphore(%arg12 : memref<!tpu.dma_semaphore, #tpu.memory_space<semaphore_mem>>) src(%arg8 : memref<256x64xf32, #tpu.memory_space<vmem>>) dst(%dma_wait3A_126 : memref<256x64xf32, #tpu.memory_space<hbm>>)
      } else {
      }
      %scan3A_69 = arith.constant 0 : i32
      %scan3A_70 = arith.constant 0 : i32
      %scan3A_71 = arith.constant 32 : i32
      %scan3A_72 = arith.addi %scan3A_70, %scan3A_71 : i32
      %scan3A_73 = arith.constant 1 : i32
      scf.for %scan3A_123 = %scan3A_70 to %scan3A_72 step %scan3A_73  : i32 {
        %mul3A_124 = arith.constant 8 : i32
        %mul3A_125 = arith.muli %scan3A_123, %mul3A_124 : i32
        %add3A_126 = arith.constant 0 : i32
        %add3A_127 = arith.addi %mul3A_125, %add3A_126 : i32
        %get3A = arith.index_cast %add3A_127 : i32 to index
        %get3A_128 = arith.constant 0 : index
        %get3A_129 = tpu.vector_load %arg6[%get3A, %get3A_128] {strides = array<i32>} : memref<256x64xf32, #tpu.memory_space<vmem>>, vector<1x16xf32>,
        %get3A_130 = vector.shape_cast %get3A_129 : vector<1x16xf32> to vector<16xf32>
        %mul3A_131 = arith.constant 8.000000e+00 : f32
        %mul3A_132 = vector.broadcast %mul3A_131 : f32 to vector<16xf32>
        %mul3A_133 = arith.mulf %get3A_130, %mul3A_132 : vector<16xf32>
        %add3A_134 = arith.constant 0 : i32
        %add3A_135 = arith.addi %mul3A_125, %add3A_134 : i32
        %swap3A = arith.index_cast %add3A_135 : i32 to index
        %swap3A_136 = arith.constant 0 : index
        %swap3A_137 = tpu.vector_load %arg8[%swap3A, %swap3A_136] {strides = array<i32>} : memref<256x64xf32, #tpu.memory_space<vmem>>, vector<1x16xf32>,
        %swap3A_138 = vector.shape_cast %swap3A_137 : vector<1x16xf32> to vector<16xf32>
        %swap3A_139 = vector.shape_cast %mul3A_133 : vector<16xf32> to vector<1x16xf32>
        tpu.vector_store %arg8[%swap3A, %swap3A_136], %swap3A_139 {strides = array<i32>} : memref<256x64xf32, #tpu.memory_space<vmem>>, vector<1x16xf32>,
        %add3A_140 = arith.constant 0 : i32
        %add3A_141 = arith.addi %mul3A_125, %add3A_140 : i32
        %get3A_142 = arith.index_cast %add3A_141 : i32 to index
        %get3A_143 = arith.constant 16 : index
        %get3A_144 = tpu.vector_load %arg6[%get3A_142, %get3A_143] {strides = array<i32>} : memref<256x64xf32, #tpu.memory_space<vmem>>, vector<1x16xf32>,
        %get3A_145 = vector.shape_cast %get3A_144 : vector<1x16xf32> to vector<16xf32>
        %mul3A_146 = arith.constant 8.000000e+00 : f32
        %mul3A_147 = vector.broadcast %mul3A_146 : f32 to vector<16xf32>
        %mul3A_148 = arith.mulf %get3A_145, %mul3A_147 : vector<16xf32>
        %add3A_149 = arith.constant 0 : i32
        %add3A_150 = arith.addi %mul3A_125, %add3A_149 : i32
        %swap3A_151 = arith.index_cast %add3A_150 : i32 to index
        %swap3A_152 = arith.constant 16 : index
        %swap3A_153 = tpu.vector_load %arg8[%swap3A_151, %swap3A_152] {strides = array<i32>} : memref<256x64xf32, #tpu.memory_space<vmem>>, vector<1x16xf32>,
        %swap3A_154 = vector.shape_cast %swap3A_153 : vector<1x16xf32> to vector<16xf32>
        %swap3A_155 = vector.shape_cast %mul3A_148 : vector<16xf32> to vector<1x16xf32>
        tpu.vector_store %arg8[%swap3A_151, %swap3A_152], %swap3A_155 {strides = array<i32>} : memref<256x64xf32, #tpu.memory_space<vmem>>, vector<1x16xf32>,
        %add3A_156 = arith.constant 0 : i32
        %add3A_157 = arith.addi %mul3A_125, %add3A_156 : i32
        %get3A_158 = arith.index_cast %add3A_157 : i32 to index
        %get3A_159 = arith.constant 32 : index
        %get3A_160 = tpu.vector_load %arg6[%get3A_158, %get3A_159] {strides = array<i32>} : memref<256x64xf32, #tpu.memory_space<vmem>>, vector<1x16xf32>,
        %get3A_161 = vector.shape_cast %get3A_160 : vector<1x16xf32> to vector<16xf32>
        %mul3A_162 = arith.constant 8.000000e+00 : f32
        %mul3A_163 = vector.broadcast %mul3A_162 : f32 to vector<16xf32>
        %mul3A_164 = arith.mulf %get3A_161, %mul3A_163 : vector<16xf32>
        %add3A_165 = arith.constant 0 : i32
        %add3A_166 = arith.addi %mul3A_125, %add3A_165 : i32
        %swap3A_167 = arith.index_cast %add3A_166 : i32 to index
        %swap3A_168 = arith.constant 32 : index
        %swap3A_169 = tpu.vector_load %arg8[%swap3A_167, %swap3A_168] {strides = array<i32>} : memref<256x64xf32, #tpu.memory_space<vmem>>, vector<1x16xf32>,
        %swap3A_170 = vector.shape_cast %swap3A_169 : vector<1x16xf32> to vector<16xf32>
        %swap3A_171 = vector.shape_cast %mul3A_164 : vector<16xf32> to vector<1x16xf32>
        tpu.vector_store %arg8[%swap3A_167, %swap3A_168], %swap3A_171 {strides = array<i32>} : memref<256x64xf32, #tpu.memory_space<vmem>>, vector<1x16xf32>,
        %add3A_172 = arith.constant 0 : i32
        %add3A_173 = arith.addi %mul3A_125, %add3A_172 : i32
        %get3A_174 = arith.index_cast %add3A_173 : i32 to index
        %get3A_175 = arith.constant 48 : index
        %get3A_176 = tpu.vector_load %arg6[%get3A_174, %get3A_175] {strides = array<i32>} : memref<256x64xf32, #tpu.memory_space<vmem>>, vector<1x16xf32>,
        %get3A_177 = vector.shape_cast %get3A_176 : vector<1x16xf32> to vector<16xf32>
        %mul3A_178 = arith.constant 8.000000e+00 : f32
        %mul3A_179 = vector.broadcast %mul3A_178 : f32 to vector<16xf32>
        %mul3A_180 = arith.mulf %get3A_177, %mul3A_179 : vector<16xf32>
        %add3A_181 = arith.constant 0 : i32
        %add3A_182 = arith.addi %mul3A_125, %add3A_181 : i32
        %swap3A_183 = arith.index_cast %add3A_182 : i32 to index
        %swap3A_184 = arith.constant 48 : index
        %swap3A_185 = tpu.vector_load %arg8[%swap3A_183, %swap3A_184] {strides = array<i32>} : memref<256x64xf32, #tpu.memory_space<vmem>>, vector<1x16xf32>,
        %swap3A_186 = vector.shape_cast %swap3A_185 : vector<1x16xf32> to vector<16xf32>
        %swap3A_187 = vector.shape_cast %mul3A_180 : vector<16xf32> to vector<1x16xf32>
        tpu.vector_store %arg8[%swap3A_183, %swap3A_184], %swap3A_187 {strides = array<i32>} : memref<256x64xf32, #tpu.memory_space<vmem>>, vector<1x16xf32>,
        %add3A_188 = arith.constant 1 : i32
        %add3A_189 = arith.addi %mul3A_125, %add3A_188 : i32
        %get3A_190 = arith.index_cast %add3A_189 : i32 to index
        %get3A_191 = arith.constant 0 : index
        %get3A_192 = tpu.vector_load %arg6[%get3A_190, %get3A_191] {strides = array<i32>} : memref<256x64xf32, #tpu.memory_space<vmem>>, vector<1x16xf32>,
        %get3A_193 = vector.shape_cast %get3A_192 : vector<1x16xf32> to vector<16xf32>
        %mul3A_194 = arith.constant 8.000000e+00 : f32
        %mul3A_195 = vector.broadcast %mul3A_194 : f32 to vector<16xf32>
        %mul3A_196 = arith.mulf %get3A_193, %mul3A_195 : vector<16xf32>
        %add3A_197 = arith.constant 1 : i32
        %add3A_198 = arith.addi %mul3A_125, %add3A_197 : i32
        %swap3A_199 = arith.index_cast %add3A_198 : i32 to index
        %swap3A_200 = arith.constant 0 : index
        %swap3A_201 = tpu.vector_load %arg8[%swap3A_199, %swap3A_200] {strides = array<i32>} : memref<256x64xf32, #tpu.memory_space<vmem>>, vector<1x16xf32>,
        %swap3A_202 = vector.shape_cast %swap3A_201 : vector<1x16xf32> to vector<16xf32>
        %swap3A_203 = vector.shape_cast %mul3A_196 : vector<16xf32> to vector<1x16xf32>
        tpu.vector_store %arg8[%swap3A_199, %swap3A_200], %swap3A_203 {strides = array<i32>} : memref<256x64xf32, #tpu.memory_space<vmem>>, vector<1x16xf32>,
        %add3A_204 = arith.constant 1 : i32
        %add3A_205 = arith.addi %mul3A_125, %add3A_204 : i32
        %get3A_206 = arith.index_cast %add3A_205 : i32 to index
        %get3A_207 = arith.constant 16 : index
        %get3A_208 = tpu.vector_load %arg6[%get3A_206, %get3A_207] {strides = array<i32>} : memref<256x64xf32, #tpu.memory_space<vmem>>, vector<1x16xf32>,
        %get3A_209 = vector.shape_cast %get3A_208 : vector<1x16xf32> to vector<16xf32>
        %mul3A_210 = arith.constant 8.000000e+00 : f32
        %mul3A_211 = vector.broadcast %mul3A_210 : f32 to vector<16xf32>
        %mul3A_212 = arith.mulf %get3A_209, %mul3A_211 : vector<16xf32>
        %add3A_213 = arith.constant 1 : i32
        %add3A_214 = arith.addi %mul3A_125, %add3A_213 : i32
        %swap3A_215 = arith.index_cast %add3A_214 : i32 to index
        %swap3A_216 = arith.constant 16 : index
        %swap3A_217 = tpu.vector_load %arg8[%swap3A_215, %swap3A_216] {strides = array<i32>} : memref<256x64xf32, #tpu.memory_space<vmem>>, vector<1x16xf32>,
        %swap3A_218 = vector.shape_cast %swap3A_217 : vector<1x16xf32> to vector<16xf32>
        %swap3A_219 = vector.shape_cast %mul3A_212 : vector<16xf32> to vector<1x16xf32>
        tpu.vector_store %arg8[%swap3A_215, %swap3A_216], %swap3A_219 {strides = array<i32>} : memref<256x64xf32, #tpu.memory_space<vmem>>, vector<1x16xf32>,
        %add3A_220 = arith.constant 1 : i32
        %add3A_221 = arith.addi %mul3A_125, %add3A_220 : i32
        %get3A_222 = arith.index_cast %add3A_221 : i32 to index
        %get3A_223 = arith.constant 32 : index
        %get3A_224 = tpu.vector_load %arg6[%get3A_222, %get3A_223] {strides = array<i32>} : memref<256x64xf32, #tpu.memory_space<vmem>>, vector<1x16xf32>,
        %get3A_225 = vector.shape_cast %get3A_224 : vector<1x16xf32> to vector<16xf32>
        %mul3A_226 = arith.constant 8.000000e+00 : f32
        %mul3A_227 = vector.broadcast %mul3A_226 : f32 to vector<16xf32>
        %mul3A_228 = arith.mulf %get3A_225, %mul3A_227 : vector<16xf32>
        %add3A_229 = arith.constant 1 : i32
        %add3A_230 = arith.addi %mul3A_125, %add3A_229 : i32
        %swap3A_231 = arith.index_cast %add3A_230 : i32 to index
        %swap3A_232 = arith.constant 32 : index
        %swap3A_233 = tpu.vector_load %arg8[%swap3A_231, %swap3A_232] {strides = array<i32>} : memref<256x64xf32, #tpu.memory_space<vmem>>, vector<1x16xf32>,
        %swap3A_234 = vector.shape_cast %swap3A_233 : vector<1x16xf32> to vector<16xf32>
        %swap3A_235 = vector.shape_cast %mul3A_228 : vector<16xf32> to vector<1x16xf32>
        tpu.vector_store %arg8[%swap3A_231, %swap3A_232], %swap3A_235 {strides = array<i32>} : memref<256x64xf32, #tpu.memory_space<vmem>>, vector<1x16xf32>,
        %add3A_236 = arith.constant 1 : i32
        %add3A_237 = arith.addi %mul3A_125, %add3A_236 : i32
        %get3A_238 = arith.index_cast %add3A_237 : i32 to index
        %get3A_239 = arith.constant 48 : index
        %get3A_240 = tpu.vector_load %arg6[%get3A_238, %get3A_239] {strides = array<i32>} : memref<256x64xf32, #tpu.memory_space<vmem>>, vector<1x16xf32>,
        %get3A_241 = vector.shape_cast %get3A_240 : vector<1x16xf32> to vector<16xf32>
        %mul3A_242 = arith.constant 8.000000e+00 : f32
        %mul3A_243 = vector.broadcast %mul3A_242 : f32 to vector<16xf32>
        %mul3A_244 = arith.mulf %get3A_241, %mul3A_243 : vector<16xf32>
        %add3A_245 = arith.constant 1 : i32
        %add3A_246 = arith.addi %mul3A_125, %add3A_245 : i32
        %swap3A_247 = arith.index_cast %add3A_246 : i32 to index
        %swap3A_248 = arith.constant 48 : index
        %swap3A_249 = tpu.vector_load %arg8[%swap3A_247, %swap3A_248] {strides = array<i32>} : memref<256x64xf32, #tpu.memory_space<vmem>>, vector<1x16xf32>,
        %swap3A_250 = vector.shape_cast %swap3A_249 : vector<1x16xf32> to vector<16xf32>
        %swap3A_251 = vector.shape_cast %mul3A_244 : vector<16xf32> to vector<1x16xf32>
        tpu.vector_store %arg8[%swap3A_247, %swap3A_248], %swap3A_251 {strides = array<i32>} : memref<256x64xf32, #tpu.memory_space<vmem>>, vector<1x16xf32>,
        %add3A_252 = arith.constant 2 : i32
        %add3A_253 = arith.addi %mul3A_125, %add3A_252 : i32
        %get3A_254 = arith.index_cast %add3A_253 : i32 to index
        %get3A_255 = arith.constant 0 : index
        %get3A_256 = tpu.vector_load %arg6[%get3A_254, %get3A_255] {strides = array<i32>} : memref<256x64xf32, #tpu.memory_space<vmem>>, vector<1x16xf32>,
        %get3A_257 = vector.shape_cast %get3A_256 : vector<1x16xf32> to vector<16xf32>
        %mul3A_258 = arith.constant 8.000000e+00 : f32
        %mul3A_259 = vector.broadcast %mul3A_258 : f32 to vector<16xf32>
        %mul3A_260 = arith.mulf %get3A_257, %mul3A_259 : vector<16xf32>
        %add3A_261 = arith.constant 2 : i32
        %add3A_262 = arith.addi %mul3A_125, %add3A_261 : i32
        %swap3A_263 = arith.index_cast %add3A_262 : i32 to index
        %swap3A_264 = arith.constant 0 : index
        %swap3A_265 = tpu.vector_load %arg8[%swap3A_263, %swap3A_264] {strides = array<i32>} : memref<256x64xf32, #tpu.memory_space<vmem>>, vector<1x16xf32>,
        %swap3A_266 = vector.shape_cast %swap3A_265 : vector<1x16xf32> to vector<16xf32>
        %swap3A_267 = vector.shape_cast %mul3A_260 : vector<16xf32> to vector<1x16xf32>
        tpu.vector_store %arg8[%swap3A_263, %swap3A_264], %swap3A_267 {strides = array<i32>} : memref<256x64xf32, #tpu.memory_space<vmem>>, vector<1x16xf32>,
        %add3A_268 = arith.constant 2 : i32
        %add3A_269 = arith.addi %mul3A_125, %add3A_268 : i32
        %get3A_270 = arith.index_cast %add3A_269 : i32 to index
        %get3A_271 = arith.constant 16 : index
        %get3A_272 = tpu.vector_load %arg6[%get3A_270, %get3A_271] {strides = array<i32>} : memref<256x64xf32, #tpu.memory_space<vmem>>, vector<1x16xf32>,
        %get3A_273 = vector.shape_cast %get3A_272 : vector<1x16xf32> to vector<16xf32>
        %mul3A_274 = arith.constant 8.000000e+00 : f32
        %mul3A_275 = vector.broadcast %mul3A_274 : f32 to vector<16xf32>
        %mul3A_276 = arith.mulf %get3A_273, %mul3A_275 : vector<16xf32>
        %add3A_277 = arith.constant 2 : i32
        %add3A_278 = arith.addi %mul3A_125, %add3A_277 : i32
        %swap3A_279 = arith.index_cast %add3A_278 : i32 to index
        %swap3A_280 = arith.constant 16 : index
        %swap3A_281 = tpu.vector_load %arg8[%swap3A_279, %swap3A_280] {strides = array<i32>} : memref<256x64xf32, #tpu.memory_space<vmem>>, vector<1x16xf32>,
        %swap3A_282 = vector.shape_cast %swap3A_281 : vector<1x16xf32> to vector<16xf32>
        %swap3A_283 = vector.shape_cast %mul3A_276 : vector<16xf32> to vector<1x16xf32>
        tpu.vector_store %arg8[%swap3A_279, %swap3A_280], %swap3A_283 {strides = array<i32>} : memref<256x64xf32, #tpu.memory_space<vmem>>, vector<1x16xf32>,
        %add3A_284 = arith.constant 2 : i32
        %add3A_285 = arith.addi %mul3A_125, %add3A_284 : i32
        %get3A_286 = arith.index_cast %add3A_285 : i32 to index
        %get3A_287 = arith.constant 32 : index
        %get3A_288 = tpu.vector_load %arg6[%get3A_286, %get3A_287] {strides = array<i32>} : memref<256x64xf32, #tpu.memory_space<vmem>>, vector<1x16xf32>,
        %get3A_289 = vector.shape_cast %get3A_288 : vector<1x16xf32> to vector<16xf32>
        %mul3A_290 = arith.constant 8.000000e+00 : f32
        %mul3A_291 = vector.broadcast %mul3A_290 : f32 to vector<16xf32>
        %mul3A_292 = arith.mulf %get3A_289, %mul3A_291 : vector<16xf32>
        %add3A_293 = arith.constant 2 : i32
        %add3A_294 = arith.addi %mul3A_125, %add3A_293 : i32
        %swap3A_295 = arith.index_cast %add3A_294 : i32 to index
        %swap3A_296 = arith.constant 32 : index
        %swap3A_297 = tpu.vector_load %arg8[%swap3A_295, %swap3A_296] {strides = array<i32>} : memref<256x64xf32, #tpu.memory_space<vmem>>, vector<1x16xf32>,
        %swap3A_298 = vector.shape_cast %swap3A_297 : vector<1x16xf32> to vector<16xf32>
        %swap3A_299 = vector.shape_cast %mul3A_292 : vector<16xf32> to vector<1x16xf32>
        tpu.vector_store %arg8[%swap3A_295, %swap3A_296], %swap3A_299 {strides = array<i32>} : memref<256x64xf32, #tpu.memory_space<vmem>>, vector<1x16xf32>,
        %add3A_300 = arith.constant 2 : i32
        %add3A_301 = arith.addi %mul3A_125, %add3A_300 : i32
        %get3A_302 = arith.index_cast %add3A_301 : i32 to index
        %get3A_303 = arith.constant 48 : index
        %get3A_304 = tpu.vector_load %arg6[%get3A_302, %get3A_303] {strides = array<i32>} : memref<256x64xf32, #tpu.memory_space<vmem>>, vector<1x16xf32>,
        %get3A_305 = vector.shape_cast %get3A_304 : vector<1x16xf32> to vector<16xf32>
        %mul3A_306 = arith.constant 8.000000e+00 : f32
        %mul3A_307 = vector.broadcast %mul3A_306 : f32 to vector<16xf32>
        %mul3A_308 = arith.mulf %get3A_305, %mul3A_307 : vector<16xf32>
        %add3A_309 = arith.constant 2 : i32
        %add3A_310 = arith.addi %mul3A_125, %add3A_309 : i32
        %swap3A_311 = arith.index_cast %add3A_310 : i32 to index
        %swap3A_312 = arith.constant 48 : index
        %swap3A_313 = tpu.vector_load %arg8[%swap3A_311, %swap3A_312] {strides = array<i32>} : memref<256x64xf32, #tpu.memory_space<vmem>>, vector<1x16xf32>,
        %swap3A_314 = vector.shape_cast %swap3A_313 : vector<1x16xf32> to vector<16xf32>
        %swap3A_315 = vector.shape_cast %mul3A_308 : vector<16xf32> to vector<1x16xf32>
        tpu.vector_store %arg8[%swap3A_311, %swap3A_312], %swap3A_315 {strides = array<i32>} : memref<256x64xf32, #tpu.memory_space<vmem>>, vector<1x16xf32>,
        %add3A_316 = arith.constant 3 : i32
        %add3A_317 = arith.addi %mul3A_125, %add3A_316 : i32
        %get3A_318 = arith.index_cast %add3A_317 : i32 to index
        %get3A_319 = arith.constant 0 : index
        %get3A_320 = tpu.vector_load %arg6[%get3A_318, %get3A_319] {strides = array<i32>} : memref<256x64xf32, #tpu.memory_space<vmem>>, vector<1x16xf32>,
        %get3A_321 = vector.shape_cast %get3A_320 : vector<1x16xf32> to vector<16xf32>
        %mul3A_322 = arith.constant 8.000000e+00 : f32
        %mul3A_323 = vector.broadcast %mul3A_322 : f32 to vector<16xf32>
        %mul3A_324 = arith.mulf %get3A_321, %mul3A_323 : vector<16xf32>
        %add3A_325 = arith.constant 3 : i32
        %add3A_326 = arith.addi %mul3A_125, %add3A_325 : i32
        %swap3A_327 = arith.index_cast %add3A_326 : i32 to index
        %swap3A_328 = arith.constant 0 : index
        %swap3A_329 = tpu.vector_load %arg8[%swap3A_327, %swap3A_328] {strides = array<i32>} : memref<256x64xf32, #tpu.memory_space<vmem>>, vector<1x16xf32>,
        %swap3A_330 = vector.shape_cast %swap3A_329 : vector<1x16xf32> to vector<16xf32>
        %swap3A_331 = vector.shape_cast %mul3A_324 : vector<16xf32> to vector<1x16xf32>
        tpu.vector_store %arg8[%swap3A_327, %swap3A_328], %swap3A_331 {strides = array<i32>} : memref<256x64xf32, #tpu.memory_space<vmem>>, vector<1x16xf32>,
        %add3A_332 = arith.constant 3 : i32
        %add3A_333 = arith.addi %mul3A_125, %add3A_332 : i32
        %get3A_334 = arith.index_cast %add3A_333 : i32 to index
        %get3A_335 = arith.constant 16 : index
        %get3A_336 = tpu.vector_load %arg6[%get3A_334, %get3A_335] {strides = array<i32>} : memref<256x64xf32, #tpu.memory_space<vmem>>, vector<1x16xf32>,
        %get3A_337 = vector.shape_cast %get3A_336 : vector<1x16xf32> to vector<16xf32>
        %mul3A_338 = arith.constant 8.000000e+00 : f32
        %mul3A_339 = vector.broadcast %mul3A_338 : f32 to vector<16xf32>
        %mul3A_340 = arith.mulf %get3A_337, %mul3A_339 : vector<16xf32>
        %add3A_341 = arith.constant 3 : i32
        %add3A_342 = arith.addi %mul3A_125, %add3A_341 : i32
        %swap3A_343 = arith.index_cast %add3A_342 : i32 to index
        %swap3A_344 = arith.constant 16 : index
        %swap3A_345 = tpu.vector_load %arg8[%swap3A_343, %swap3A_344] {strides = array<i32>} : memref<256x64xf32, #tpu.memory_space<vmem>>, vector<1x16xf32>,
        %swap3A_346 = vector.shape_cast %swap3A_345 : vector<1x16xf32> to vector<16xf32>
        %swap3A_347 = vector.shape_cast %mul3A_340 : vector<16xf32> to vector<1x16xf32>
        tpu.vector_store %arg8[%swap3A_343, %swap3A_344], %swap3A_347 {strides = array<i32>} : memref<256x64xf32, #tpu.memory_space<vmem>>, vector<1x16xf32>,
        %add3A_348 = arith.constant 3 : i32
        %add3A_349 = arith.addi %mul3A_125, %add3A_348 : i32
        %get3A_350 = arith.index_cast %add3A_349 : i32 to index
        %get3A_351 = arith.constant 32 : index
        %get3A_352 = tpu.vector_load %arg6[%get3A_350, %get3A_351] {strides = array<i32>} : memref<256x64xf32, #tpu.memory_space<vmem>>, vector<1x16xf32>,
        %get3A_353 = vector.shape_cast %get3A_352 : vector<1x16xf32> to vector<16xf32>
        %mul3A_354 = arith.constant 8.000000e+00 : f32
        %mul3A_355 = vector.broadcast %mul3A_354 : f32 to vector<16xf32>
        %mul3A_356 = arith.mulf %get3A_353, %mul3A_355 : vector<16xf32>
        %add3A_357 = arith.constant 3 : i32
        %add3A_358 = arith.addi %mul3A_125, %add3A_357 : i32
        %swap3A_359 = arith.index_cast %add3A_358 : i32 to index
        %swap3A_360 = arith.constant 32 : index
        %swap3A_361 = tpu.vector_load %arg8[%swap3A_359, %swap3A_360] {strides = array<i32>} : memref<256x64xf32, #tpu.memory_space<vmem>>, vector<1x16xf32>,
        %swap3A_362 = vector.shape_cast %swap3A_361 : vector<1x16xf32> to vector<16xf32>
        %swap3A_363 = vector.shape_cast %mul3A_356 : vector<16xf32> to vector<1x16xf32>
        tpu.vector_store %arg8[%swap3A_359, %swap3A_360], %swap3A_363 {strides = array<i32>} : memref<256x64xf32, #tpu.memory_space<vmem>>, vector<1x16xf32>,
        %add3A_364 = arith.constant 3 : i32
        %add3A_365 = arith.addi %mul3A_125, %add3A_364 : i32
        %get3A_366 = arith.index_cast %add3A_365 : i32 to index
        %get3A_367 = arith.constant 48 : index
        %get3A_368 = tpu.vector_load %arg6[%get3A_366, %get3A_367] {strides = array<i32>} : memref<256x64xf32, #tpu.memory_space<vmem>>, vector<1x16xf32>,
        %get3A_369 = vector.shape_cast %get3A_368 : vector<1x16xf32> to vector<16xf32>
        %mul3A_370 = arith.constant 8.000000e+00 : f32
        %mul3A_371 = vector.broadcast %mul3A_370 : f32 to vector<16xf32>
        %mul3A_372 = arith.mulf %get3A_369, %mul3A_371 : vector<16xf32>
        %add3A_373 = arith.constant 3 : i32
        %add3A_374 = arith.addi %mul3A_125, %add3A_373 : i32
        %swap3A_375 = arith.index_cast %add3A_374 : i32 to index
        %swap3A_376 = arith.constant 48 : index
        %swap3A_377 = tpu.vector_load %arg8[%swap3A_375, %swap3A_376] {strides = array<i32>} : memref<256x64xf32, #tpu.memory_space<vmem>>, vector<1x16xf32>,
        %swap3A_378 = vector.shape_cast %swap3A_377 : vector<1x16xf32> to vector<16xf32>
        %swap3A_379 = vector.shape_cast %mul3A_372 : vector<16xf32> to vector<1x16xf32>
        tpu.vector_store %arg8[%swap3A_375, %swap3A_376], %swap3A_379 {strides = array<i32>} : memref<256x64xf32, #tpu.memory_space<vmem>>, vector<1x16xf32>,
        %add3A_380 = arith.constant 4 : i32
        %add3A_381 = arith.addi %mul3A_125, %add3A_380 : i32
        %get3A_382 = arith.index_cast %add3A_381 : i32 to index
        %get3A_383 = arith.constant 0 : index
        %get3A_384 = tpu.vector_load %arg6[%get3A_382, %get3A_383] {strides = array<i32>} : memref<256x64xf32, #tpu.memory_space<vmem>>, vector<1x16xf32>,
        %get3A_385 = vector.shape_cast %get3A_384 : vector<1x16xf32> to vector<16xf32>
        %mul3A_386 = arith.constant 8.000000e+00 : f32
        %mul3A_387 = vector.broadcast %mul3A_386 : f32 to vector<16xf32>
        %mul3A_388 = arith.mulf %get3A_385, %mul3A_387 : vector<16xf32>
        %add3A_389 = arith.constant 4 : i32
        %add3A_390 = arith.addi %mul3A_125, %add3A_389 : i32
        %swap3A_391 = arith.index_cast %add3A_390 : i32 to index
        %swap3A_392 = arith.constant 0 : index
        %swap3A_393 = tpu.vector_load %arg8[%swap3A_391, %swap3A_392] {strides = array<i32>} : memref<256x64xf32, #tpu.memory_space<vmem>>, vector<1x16xf32>,
        %swap3A_394 = vector.shape_cast %swap3A_393 : vector<1x16xf32> to vector<16xf32>
        %swap3A_395 = vector.shape_cast %mul3A_388 : vector<16xf32> to vector<1x16xf32>
        tpu.vector_store %arg8[%swap3A_391, %swap3A_392], %swap3A_395 {strides = array<i32>} : memref<256x64xf32, #tpu.memory_space<vmem>>, vector<1x16xf32>,
        %add3A_396 = arith.constant 4 : i32
        %add3A_397 = arith.addi %mul3A_125, %add3A_396 : i32
        %get3A_398 = arith.index_cast %add3A_397 : i32 to index
        %get3A_399 = arith.constant 16 : index
        %get3A_400 = tpu.vector_load %arg6[%get3A_398, %get3A_399] {strides = array<i32>} : memref<256x64xf32, #tpu.memory_space<vmem>>, vector<1x16xf32>,
        %get3A_401 = vector.shape_cast %get3A_400 : vector<1x16xf32> to vector<16xf32>
        %mul3A_402 = arith.constant 8.000000e+00 : f32
        %mul3A_403 = vector.broadcast %mul3A_402 : f32 to vector<16xf32>
        %mul3A_404 = arith.mulf %get3A_401, %mul3A_403 : vector<16xf32>
        %add3A_405 = arith.constant 4 : i32
        %add3A_406 = arith.addi %mul3A_125, %add3A_405 : i32
        %swap3A_407 = arith.index_cast %add3A_406 : i32 to index
        %swap3A_408 = arith.constant 16 : index
        %swap3A_409 = tpu.vector_load %arg8[%swap3A_407, %swap3A_408] {strides = array<i32>} : memref<256x64xf32, #tpu.memory_space<vmem>>, vector<1x16xf32>,
        %swap3A_410 = vector.shape_cast %swap3A_409 : vector<1x16xf32> to vector<16xf32>
        %swap3A_411 = vector.shape_cast %mul3A_404 : vector<16xf32> to vector<1x16xf32>
        tpu.vector_store %arg8[%swap3A_407, %swap3A_408], %swap3A_411 {strides = array<i32>} : memref<256x64xf32, #tpu.memory_space<vmem>>, vector<1x16xf32>,
        %add3A_412 = arith.constant 4 : i32
        %add3A_413 = arith.addi %mul3A_125, %add3A_412 : i32
        %get3A_414 = arith.index_cast %add3A_413 : i32 to index
        %get3A_415 = arith.constant 32 : index
        %get3A_416 = tpu.vector_load %arg6[%get3A_414, %get3A_415] {strides = array<i32>} : memref<256x64xf32, #tpu.memory_space<vmem>>, vector<1x16xf32>,
        %get3A_417 = vector.shape_cast %get3A_416 : vector<1x16xf32> to vector<16xf32>
        %mul3A_418 = arith.constant 8.000000e+00 : f32
        %mul3A_419 = vector.broadcast %mul3A_418 : f32 to vector<16xf32>
        %mul3A_420 = arith.mulf %get3A_417, %mul3A_419 : vector<16xf32>
        %add3A_421 = arith.constant 4 : i32
        %add3A_422 = arith.addi %mul3A_125, %add3A_421 : i32
        %swap3A_423 = arith.index_cast %add3A_422 : i32 to index
        %swap3A_424 = arith.constant 32 : index
        %swap3A_425 = tpu.vector_load %arg8[%swap3A_423, %swap3A_424] {strides = array<i32>} : memref<256x64xf32, #tpu.memory_space<vmem>>, vector<1x16xf32>,
        %swap3A_426 = vector.shape_cast %swap3A_425 : vector<1x16xf32> to vector<16xf32>
        %swap3A_427 = vector.shape_cast %mul3A_420 : vector<16xf32> to vector<1x16xf32>
        tpu.vector_store %arg8[%swap3A_423, %swap3A_424], %swap3A_427 {strides = array<i32>} : memref<256x64xf32, #tpu.memory_space<vmem>>, vector<1x16xf32>,
        %add3A_428 = arith.constant 4 : i32
        %add3A_429 = arith.addi %mul3A_125, %add3A_428 : i32
        %get3A_430 = arith.index_cast %add3A_429 : i32 to index
        %get3A_431 = arith.constant 48 : index
        %get3A_432 = tpu.vector_load %arg6[%get3A_430, %get3A_431] {strides = array<i32>} : memref<256x64xf32, #tpu.memory_space<vmem>>, vector<1x16xf32>,
        %get3A_433 = vector.shape_cast %get3A_432 : vector<1x16xf32> to vector<16xf32>
        %mul3A_434 = arith.constant 8.000000e+00 : f32
        %mul3A_435 = vector.broadcast %mul3A_434 : f32 to vector<16xf32>
        %mul3A_436 = arith.mulf %get3A_433, %mul3A_435 : vector<16xf32>
        %add3A_437 = arith.constant 4 : i32
        %add3A_438 = arith.addi %mul3A_125, %add3A_437 : i32
        %swap3A_439 = arith.index_cast %add3A_438 : i32 to index
        %swap3A_440 = arith.constant 48 : index
        %swap3A_441 = tpu.vector_load %arg8[%swap3A_439, %swap3A_440] {strides = array<i32>} : memref<256x64xf32, #tpu.memory_space<vmem>>, vector<1x16xf32>,
        %swap3A_442 = vector.shape_cast %swap3A_441 : vector<1x16xf32> to vector<16xf32>
        %swap3A_443 = vector.shape_cast %mul3A_436 : vector<16xf32> to vector<1x16xf32>
        tpu.vector_store %arg8[%swap3A_439, %swap3A_440], %swap3A_443 {strides = array<i32>} : memref<256x64xf32, #tpu.memory_space<vmem>>, vector<1x16xf32>,
        %add3A_444 = arith.constant 5 : i32
        %add3A_445 = arith.addi %mul3A_125, %add3A_444 : i32
        %get3A_446 = arith.index_cast %add3A_445 : i32 to index
        %get3A_447 = arith.constant 0 : index
        %get3A_448 = tpu.vector_load %arg6[%get3A_446, %get3A_447] {strides = array<i32>} : memref<256x64xf32, #tpu.memory_space<vmem>>, vector<1x16xf32>,
        %get3A_449 = vector.shape_cast %get3A_448 : vector<1x16xf32> to vector<16xf32>
        %mul3A_450 = arith.constant 8.000000e+00 : f32
        %mul3A_451 = vector.broadcast %mul3A_450 : f32 to vector<16xf32>
        %mul3A_452 = arith.mulf %get3A_449, %mul3A_451 : vector<16xf32>
        %add3A_453 = arith.constant 5 : i32
        %add3A_454 = arith.addi %mul3A_125, %add3A_453 : i32
        %swap3A_455 = arith.index_cast %add3A_454 : i32 to index
        %swap3A_456 = arith.constant 0 : index
        %swap3A_457 = tpu.vector_load %arg8[%swap3A_455, %swap3A_456] {strides = array<i32>} : memref<256x64xf32, #tpu.memory_space<vmem>>, vector<1x16xf32>,
        %swap3A_458 = vector.shape_cast %swap3A_457 : vector<1x16xf32> to vector<16xf32>
        %swap3A_459 = vector.shape_cast %mul3A_452 : vector<16xf32> to vector<1x16xf32>
        tpu.vector_store %arg8[%swap3A_455, %swap3A_456], %swap3A_459 {strides = array<i32>} : memref<256x64xf32, #tpu.memory_space<vmem>>, vector<1x16xf32>,
        %add3A_460 = arith.constant 5 : i32
        %add3A_461 = arith.addi %mul3A_125, %add3A_460 : i32
        %get3A_462 = arith.index_cast %add3A_461 : i32 to index
        %get3A_463 = arith.constant 16 : index
        %get3A_464 = tpu.vector_load %arg6[%get3A_462, %get3A_463] {strides = array<i32>} : memref<256x64xf32, #tpu.memory_space<vmem>>, vector<1x16xf32>,
        %get3A_465 = vector.shape_cast %get3A_464 : vector<1x16xf32> to vector<16xf32>
        %mul3A_466 = arith.constant 8.000000e+00 : f32
        %mul3A_467 = vector.broadcast %mul3A_466 : f32 to vector<16xf32>
        %mul3A_468 = arith.mulf %get3A_465, %mul3A_467 : vector<16xf32>
        %add3A_469 = arith.constant 5 : i32
        %add3A_470 = arith.addi %mul3A_125, %add3A_469 : i32
        %swap3A_471 = arith.index_cast %add3A_470 : i32 to index
        %swap3A_472 = arith.constant 16 : index
        %swap3A_473 = tpu.vector_load %arg8[%swap3A_471, %swap3A_472] {strides = array<i32>} : memref<256x64xf32, #tpu.memory_space<vmem>>, vector<1x16xf32>,
        %swap3A_474 = vector.shape_cast %swap3A_473 : vector<1x16xf32> to vector<16xf32>
        %swap3A_475 = vector.shape_cast %mul3A_468 : vector<16xf32> to vector<1x16xf32>
        tpu.vector_store %arg8[%swap3A_471, %swap3A_472], %swap3A_475 {strides = array<i32>} : memref<256x64xf32, #tpu.memory_space<vmem>>, vector<1x16xf32>,
        %add3A_476 = arith.constant 5 : i32
        %add3A_477 = arith.addi %mul3A_125, %add3A_476 : i32
        %get3A_478 = arith.index_cast %add3A_477 : i32 to index
        %get3A_479 = arith.constant 32 : index
        %get3A_480 = tpu.vector_load %arg6[%get3A_478, %get3A_479] {strides = array<i32>} : memref<256x64xf32, #tpu.memory_space<vmem>>, vector<1x16xf32>,
        %get3A_481 = vector.shape_cast %get3A_480 : vector<1x16xf32> to vector<16xf32>
        %mul3A_482 = arith.constant 8.000000e+00 : f32
        %mul3A_483 = vector.broadcast %mul3A_482 : f32 to vector<16xf32>
        %mul3A_484 = arith.mulf %get3A_481, %mul3A_483 : vector<16xf32>
        %add3A_485 = arith.constant 5 : i32
        %add3A_486 = arith.addi %mul3A_125, %add3A_485 : i32
        %swap3A_487 = arith.index_cast %add3A_486 : i32 to index
        %swap3A_488 = arith.constant 32 : index
        %swap3A_489 = tpu.vector_load %arg8[%swap3A_487, %swap3A_488] {strides = array<i32>} : memref<256x64xf32, #tpu.memory_space<vmem>>, vector<1x16xf32>,
        %swap3A_490 = vector.shape_cast %swap3A_489 : vector<1x16xf32> to vector<16xf32>
        %swap3A_491 = vector.shape_cast %mul3A_484 : vector<16xf32> to vector<1x16xf32>
        tpu.vector_store %arg8[%swap3A_487, %swap3A_488], %swap3A_491 {strides = array<i32>} : memref<256x64xf32, #tpu.memory_space<vmem>>, vector<1x16xf32>,
        %add3A_492 = arith.constant 5 : i32
        %add3A_493 = arith.addi %mul3A_125, %add3A_492 : i32
        %get3A_494 = arith.index_cast %add3A_493 : i32 to index
        %get3A_495 = arith.constant 48 : index
        %get3A_496 = tpu.vector_load %arg6[%get3A_494, %get3A_495] {strides = array<i32>} : memref<256x64xf32, #tpu.memory_space<vmem>>, vector<1x16xf32>,
        %get3A_497 = vector.shape_cast %get3A_496 : vector<1x16xf32> to vector<16xf32>
        %mul3A_498 = arith.constant 8.000000e+00 : f32
        %mul3A_499 = vector.broadcast %mul3A_498 : f32 to vector<16xf32>
        %mul3A_500 = arith.mulf %get3A_497, %mul3A_499 : vector<16xf32>
        %add3A_501 = arith.constant 5 : i32
        %add3A_502 = arith.addi %mul3A_125, %add3A_501 : i32
        %swap3A_503 = arith.index_cast %add3A_502 : i32 to index
        %swap3A_504 = arith.constant 48 : index
        %swap3A_505 = tpu.vector_load %arg8[%swap3A_503, %swap3A_504] {strides = array<i32>} : memref<256x64xf32, #tpu.memory_space<vmem>>, vector<1x16xf32>,
        %swap3A_506 = vector.shape_cast %swap3A_505 : vector<1x16xf32> to vector<16xf32>
        %swap3A_507 = vector.shape_cast %mul3A_500 : vector<16xf32> to vector<1x16xf32>
        tpu.vector_store %arg8[%swap3A_503, %swap3A_504], %swap3A_507 {strides = array<i32>} : memref<256x64xf32, #tpu.memory_space<vmem>>, vector<1x16xf32>,
        %add3A_508 = arith.constant 6 : i32
        %add3A_509 = arith.addi %mul3A_125, %add3A_508 : i32
        %get3A_510 = arith.index_cast %add3A_509 : i32 to index
        %get3A_511 = arith.constant 0 : index
        %get3A_512 = tpu.vector_load %arg6[%get3A_510, %get3A_511] {strides = array<i32>} : memref<256x64xf32, #tpu.memory_space<vmem>>, vector<1x16xf32>,
        %get3A_513 = vector.shape_cast %get3A_512 : vector<1x16xf32> to vector<16xf32>
        %mul3A_514 = arith.constant 8.000000e+00 : f32
        %mul3A_515 = vector.broadcast %mul3A_514 : f32 to vector<16xf32>
        %mul3A_516 = arith.mulf %get3A_513, %mul3A_515 : vector<16xf32>
        %add3A_517 = arith.constant 6 : i32
        %add3A_518 = arith.addi %mul3A_125, %add3A_517 : i32
        %swap3A_519 = arith.index_cast %add3A_518 : i32 to index
        %swap3A_520 = arith.constant 0 : index
        %swap3A_521 = tpu.vector_load %arg8[%swap3A_519, %swap3A_520] {strides = array<i32>} : memref<256x64xf32, #tpu.memory_space<vmem>>, vector<1x16xf32>,
        %swap3A_522 = vector.shape_cast %swap3A_521 : vector<1x16xf32> to vector<16xf32>
        %swap3A_523 = vector.shape_cast %mul3A_516 : vector<16xf32> to vector<1x16xf32>
        tpu.vector_store %arg8[%swap3A_519, %swap3A_520], %swap3A_523 {strides = array<i32>} : memref<256x64xf32, #tpu.memory_space<vmem>>, vector<1x16xf32>,
        %add3A_524 = arith.constant 6 : i32
        %add3A_525 = arith.addi %mul3A_125, %add3A_524 : i32
        %get3A_526 = arith.index_cast %add3A_525 : i32 to index
        %get3A_527 = arith.constant 16 : index
        %get3A_528 = tpu.vector_load %arg6[%get3A_526, %get3A_527] {strides = array<i32>} : memref<256x64xf32, #tpu.memory_space<vmem>>, vector<1x16xf32>,
        %get3A_529 = vector.shape_cast %get3A_528 : vector<1x16xf32> to vector<16xf32>
        %mul3A_530 = arith.constant 8.000000e+00 : f32
        %mul3A_531 = vector.broadcast %mul3A_530 : f32 to vector<16xf32>
        %mul3A_532 = arith.mulf %get3A_529, %mul3A_531 : vector<16xf32>
        %add3A_533 = arith.constant 6 : i32
        %add3A_534 = arith.addi %mul3A_125, %add3A_533 : i32
        %swap3A_535 = arith.index_cast %add3A_534 : i32 to index
        %swap3A_536 = arith.constant 16 : index
        %swap3A_537 = tpu.vector_load %arg8[%swap3A_535, %swap3A_536] {strides = array<i32>} : memref<256x64xf32, #tpu.memory_space<vmem>>, vector<1x16xf32>,
        %swap3A_538 = vector.shape_cast %swap3A_537 : vector<1x16xf32> to vector<16xf32>
        %swap3A_539 = vector.shape_cast %mul3A_532 : vector<16xf32> to vector<1x16xf32>
        tpu.vector_store %arg8[%swap3A_535, %swap3A_536], %swap3A_539 {strides = array<i32>} : memref<256x64xf32, #tpu.memory_space<vmem>>, vector<1x16xf32>,
        %add3A_540 = arith.constant 6 : i32
        %add3A_541 = arith.addi %mul3A_125, %add3A_540 : i32
        %get3A_542 = arith.index_cast %add3A_541 : i32 to index
        %get3A_543 = arith.constant 32 : index
        %get3A_544 = tpu.vector_load %arg6[%get3A_542, %get3A_543] {strides = array<i32>} : memref<256x64xf32, #tpu.memory_space<vmem>>, vector<1x16xf32>,
        %get3A_545 = vector.shape_cast %get3A_544 : vector<1x16xf32> to vector<16xf32>
        %mul3A_546 = arith.constant 8.000000e+00 : f32
        %mul3A_547 = vector.broadcast %mul3A_546 : f32 to vector<16xf32>
        %mul3A_548 = arith.mulf %get3A_545, %mul3A_547 : vector<16xf32>
        %add3A_549 = arith.constant 6 : i32
        %add3A_550 = arith.addi %mul3A_125, %add3A_549 : i32
        %swap3A_551 = arith.index_cast %add3A_550 : i32 to index
        %swap3A_552 = arith.constant 32 : index
        %swap3A_553 = tpu.vector_load %arg8[%swap3A_551, %swap3A_552] {strides = array<i32>} : memref<256x64xf32, #tpu.memory_space<vmem>>, vector<1x16xf32>,
        %swap3A_554 = vector.shape_cast %swap3A_553 : vector<1x16xf32> to vector<16xf32>
        %swap3A_555 = vector.shape_cast %mul3A_548 : vector<16xf32> to vector<1x16xf32>
        tpu.vector_store %arg8[%swap3A_551, %swap3A_552], %swap3A_555 {strides = array<i32>} : memref<256x64xf32, #tpu.memory_space<vmem>>, vector<1x16xf32>,
        %add3A_556 = arith.constant 6 : i32
        %add3A_557 = arith.addi %mul3A_125, %add3A_556 : i32
        %get3A_558 = arith.index_cast %add3A_557 : i32 to index
        %get3A_559 = arith.constant 48 : index
        %get3A_560 = tpu.vector_load %arg6[%get3A_558, %get3A_559] {strides = array<i32>} : memref<256x64xf32, #tpu.memory_space<vmem>>, vector<1x16xf32>,
        %get3A_561 = vector.shape_cast %get3A_560 : vector<1x16xf32> to vector<16xf32>
        %mul3A_562 = arith.constant 8.000000e+00 : f32
        %mul3A_563 = vector.broadcast %mul3A_562 : f32 to vector<16xf32>
        %mul3A_564 = arith.mulf %get3A_561, %mul3A_563 : vector<16xf32>
        %add3A_565 = arith.constant 6 : i32
        %add3A_566 = arith.addi %mul3A_125, %add3A_565 : i32
        %swap3A_567 = arith.index_cast %add3A_566 : i32 to index
        %swap3A_568 = arith.constant 48 : index
        %swap3A_569 = tpu.vector_load %arg8[%swap3A_567, %swap3A_568] {strides = array<i32>} : memref<256x64xf32, #tpu.memory_space<vmem>>, vector<1x16xf32>,
        %swap3A_570 = vector.shape_cast %swap3A_569 : vector<1x16xf32> to vector<16xf32>
        %swap3A_571 = vector.shape_cast %mul3A_564 : vector<16xf32> to vector<1x16xf32>
        tpu.vector_store %arg8[%swap3A_567, %swap3A_568], %swap3A_571 {strides = array<i32>} : memref<256x64xf32, #tpu.memory_space<vmem>>, vector<1x16xf32>,
        %add3A_572 = arith.constant 7 : i32
        %add3A_573 = arith.addi %mul3A_125, %add3A_572 : i32
        %get3A_574 = arith.index_cast %add3A_573 : i32 to index
        %get3A_575 = arith.constant 0 : index
        %get3A_576 = tpu.vector_load %arg6[%get3A_574, %get3A_575] {strides = array<i32>} : memref<256x64xf32, #tpu.memory_space<vmem>>, vector<1x16xf32>,
        %get3A_577 = vector.shape_cast %get3A_576 : vector<1x16xf32> to vector<16xf32>
        %mul3A_578 = arith.constant 8.000000e+00 : f32
        %mul3A_579 = vector.broadcast %mul3A_578 : f32 to vector<16xf32>
        %mul3A_580 = arith.mulf %get3A_577, %mul3A_579 : vector<16xf32>
        %add3A_581 = arith.constant 7 : i32
        %add3A_582 = arith.addi %mul3A_125, %add3A_581 : i32
        %swap3A_583 = arith.index_cast %add3A_582 : i32 to index
        %swap3A_584 = arith.constant 0 : index
        %swap3A_585 = tpu.vector_load %arg8[%swap3A_583, %swap3A_584] {strides = array<i32>} : memref<256x64xf32, #tpu.memory_space<vmem>>, vector<1x16xf32>,
        %swap3A_586 = vector.shape_cast %swap3A_585 : vector<1x16xf32> to vector<16xf32>
        %swap3A_587 = vector.shape_cast %mul3A_580 : vector<16xf32> to vector<1x16xf32>
        tpu.vector_store %arg8[%swap3A_583, %swap3A_584], %swap3A_587 {strides = array<i32>} : memref<256x64xf32, #tpu.memory_space<vmem>>, vector<1x16xf32>,
        %add3A_588 = arith.constant 7 : i32
        %add3A_589 = arith.addi %mul3A_125, %add3A_588 : i32
        %get3A_590 = arith.index_cast %add3A_589 : i32 to index
        %get3A_591 = arith.constant 16 : index
        %get3A_592 = tpu.vector_load %arg6[%get3A_590, %get3A_591] {strides = array<i32>} : memref<256x64xf32, #tpu.memory_space<vmem>>, vector<1x16xf32>,
        %get3A_593 = vector.shape_cast %get3A_592 : vector<1x16xf32> to vector<16xf32>
        %mul3A_594 = arith.constant 8.000000e+00 : f32
        %mul3A_595 = vector.broadcast %mul3A_594 : f32 to vector<16xf32>
        %mul3A_596 = arith.mulf %get3A_593, %mul3A_595 : vector<16xf32>
        %add3A_597 = arith.constant 7 : i32
        %add3A_598 = arith.addi %mul3A_125, %add3A_597 : i32
        %swap3A_599 = arith.index_cast %add3A_598 : i32 to index
        %swap3A_600 = arith.constant 16 : index
        %swap3A_601 = tpu.vector_load %arg8[%swap3A_599, %swap3A_600] {strides = array<i32>} : memref<256x64xf32, #tpu.memory_space<vmem>>, vector<1x16xf32>,
        %swap3A_602 = vector.shape_cast %swap3A_601 : vector<1x16xf32> to vector<16xf32>
        %swap3A_603 = vector.shape_cast %mul3A_596 : vector<16xf32> to vector<1x16xf32>
        tpu.vector_store %arg8[%swap3A_599, %swap3A_600], %swap3A_603 {strides = array<i32>} : memref<256x64xf32, #tpu.memory_space<vmem>>, vector<1x16xf32>,
        %add3A_604 = arith.constant 7 : i32
        %add3A_605 = arith.addi %mul3A_125, %add3A_604 : i32
        %get3A_606 = arith.index_cast %add3A_605 : i32 to index
        %get3A_607 = arith.constant 32 : index
        %get3A_608 = tpu.vector_load %arg6[%get3A_606, %get3A_607] {strides = array<i32>} : memref<256x64xf32, #tpu.memory_space<vmem>>, vector<1x16xf32>,
        %get3A_609 = vector.shape_cast %get3A_608 : vector<1x16xf32> to vector<16xf32>
        %mul3A_610 = arith.constant 8.000000e+00 : f32
        %mul3A_611 = vector.broadcast %mul3A_610 : f32 to vector<16xf32>
        %mul3A_612 = arith.mulf %get3A_609, %mul3A_611 : vector<16xf32>
        %add3A_613 = arith.constant 7 : i32
        %add3A_614 = arith.addi %mul3A_125, %add3A_613 : i32
        %swap3A_615 = arith.index_cast %add3A_614 : i32 to index
        %swap3A_616 = arith.constant 32 : index
        %swap3A_617 = tpu.vector_load %arg8[%swap3A_615, %swap3A_616] {strides = array<i32>} : memref<256x64xf32, #tpu.memory_space<vmem>>, vector<1x16xf32>,
        %swap3A_618 = vector.shape_cast %swap3A_617 : vector<1x16xf32> to vector<16xf32>
        %swap3A_619 = vector.shape_cast %mul3A_612 : vector<16xf32> to vector<1x16xf32>
        tpu.vector_store %arg8[%swap3A_615, %swap3A_616], %swap3A_619 {strides = array<i32>} : memref<256x64xf32, #tpu.memory_space<vmem>>, vector<1x16xf32>,
        %add3A_620 = arith.constant 7 : i32
        %add3A_621 = arith.addi %mul3A_125, %add3A_620 : i32
        %get3A_622 = arith.index_cast %add3A_621 : i32 to index
        %get3A_623 = arith.constant 48 : index
        %get3A_624 = tpu.vector_load %arg6[%get3A_622, %get3A_623] {strides = array<i32>} : memref<256x64xf32, #tpu.memory_space<vmem>>, vector<1x16xf32>,
        %get3A_625 = vector.shape_cast %get3A_624 : vector<1x16xf32> to vector<16xf32>
        %mul3A_626 = arith.constant 8.000000e+00 : f32
        %mul3A_627 = vector.broadcast %mul3A_626 : f32 to vector<16xf32>
        %mul3A_628 = arith.mulf %get3A_625, %mul3A_627 : vector<16xf32>
        %add3A_629 = arith.constant 7 : i32
        %add3A_630 = arith.addi %mul3A_125, %add3A_629 : i32
        %swap3A_631 = arith.index_cast %add3A_630 : i32 to index
        %swap3A_632 = arith.constant 48 : index
        %swap3A_633 = tpu.vector_load %arg8[%swap3A_631, %swap3A_632] {strides = array<i32>} : memref<256x64xf32, #tpu.memory_space<vmem>>, vector<1x16xf32>,
        %swap3A_634 = vector.shape_cast %swap3A_633 : vector<1x16xf32> to vector<16xf32>
        %swap3A_635 = vector.shape_cast %mul3A_628 : vector<16xf32> to vector<1x16xf32>
        tpu.vector_store %arg8[%swap3A_631, %swap3A_632], %swap3A_635 {strides = array<i32>} : memref<256x64xf32, #tpu.memory_space<vmem>>, vector<1x16xf32>,
      }
      %scan3A_74 = arith.constant 32 : i32
      %add3A_75 = arith.constant 2 : i32
      %add3A_76 = arith.addi %add3A_60, %add3A_75 : i32
      %lt3A = arith.constant 100 : i32
      %lt3A_77 = arith.cmpi slt, %add3A_76, %lt3A : i32
      %convert_element_type3A_78 = arith.extui %lt3A_77 : i1 to i32
      %cond3A_79 = arith.constant 0 : i32
      %cond3A_80 = arith.cmpi ne, %convert_element_type3A_78, %cond3A_79 : i32
      scf.if %cond3A_80 {
        %add3A_123 = arith.constant 2 : i32
        %add3A_124 = arith.addi %add3A_60, %add3A_123 : i32
        %mul3A_125 = arith.constant 2 : i32
        %mul3A_126 = arith.muli %add3A_124, %mul3A_125 : i32
        %add3A_127 = arith.constant 0 : i32
        %add3A_128 = arith.addi %mul3A_126, %add3A_127 : i32
        %dma_start3A_129 = arith.constant 0 : i32
        %dma_start3A_130 = arith.constant 0 : i32
        %dma_start3A_131 = tpu.memref_slice %arg6[%dma_start3A_129, %dma_start3A_130] : memref<256x64xf32, #tpu.memory_space<vmem>> -> memref<128x64xf32, #tpu.memory_space<vmem>>
        %dma_start3A_132 = arith.constant 0 : i32
        %dma_start3A_133 = tpu.memref_slice %arg5[%add3A_128, %dma_start3A_132] : memref<200x128xi32, #tpu.memory_space<vmem>> -> memref<1x128xi32, #tpu.memory_space<vmem>>
        %dma_start3A_134 = tpu.memref_squeeze %dma_start3A_133 : memref<1x128xi32, #tpu.memory_space<vmem>> -> memref<128xi32, #tpu.memory_space<vmem>>
        %dma_start3A_135 = arith.constant 0 : i32
        %dma_start3A_136 = arith.constant 0 : i32
        %dma_start3A_137 = tpu.memref_slice %arg3[%dma_start3A_135, %dma_start3A_136] : memref<1000000x64xf32, #tpu.memory_space<hbm>> -> memref<1000000x64xf32, #tpu.memory_space<hbm>>
        tpu.enqueue_indirect_dma source(%dma_start3A_137 : memref<1000000x64xf32, #tpu.memory_space<hbm>>) target(%dma_start3A_131 : memref<128x64xf32, #tpu.memory_space<vmem>>) offsets(%dma_start3A_134 : memref<128xi32, #tpu.memory_space<vmem>>) semaphore(%arg10 : memref<!tpu.dma_semaphore, #tpu.memory_space<semaphore_mem>>)
        %mul3A_138 = arith.constant 2 : i32
        %mul3A_139 = arith.muli %add3A_124, %mul3A_138 : i32
        %add3A_140 = arith.constant 1 : i32
        %add3A_141 = arith.addi %mul3A_139, %add3A_140 : i32
        %dma_start3A_142 = arith.constant 128 : i32
        %dma_start3A_143 = arith.constant 0 : i32
        %dma_start3A_144 = tpu.memref_slice %arg6[%dma_start3A_142, %dma_start3A_143] : memref<256x64xf32, #tpu.memory_space<vmem>> -> memref<128x64xf32, #tpu.memory_space<vmem>>
        %dma_start3A_145 = arith.constant 0 : i32
        %dma_start3A_146 = tpu.memref_slice %arg5[%add3A_141, %dma_start3A_145] : memref<200x128xi32, #tpu.memory_space<vmem>> -> memref<1x128xi32, #tpu.memory_space<vmem>>
        %dma_start3A_147 = tpu.memref_squeeze %dma_start3A_146 : memref<1x128xi32, #tpu.memory_space<vmem>> -> memref<128xi32, #tpu.memory_space<vmem>>
        %dma_start3A_148 = arith.constant 0 : i32
        %dma_start3A_149 = arith.constant 0 : i32
        %dma_start3A_150 = tpu.memref_slice %arg3[%dma_start3A_148, %dma_start3A_149] : memref<1000000x64xf32, #tpu.memory_space<hbm>> -> memref<1000000x64xf32, #tpu.memory_space<hbm>>
        tpu.enqueue_indirect_dma source(%dma_start3A_150 : memref<1000000x64xf32, #tpu.memory_space<hbm>>) target(%dma_start3A_144 : memref<128x64xf32, #tpu.memory_space<vmem>>) offsets(%dma_start3A_147 : memref<128xi32, #tpu.memory_space<vmem>>) semaphore(%arg10 : memref<!tpu.dma_semaphore, #tpu.memory_space<semaphore_mem>>)
      } else {
      }
      %mul3A_81 = arith.constant 256 : i32
      %mul3A_82 = arith.muli %add3A_60, %mul3A_81 : i32
      %add3A_83 = arith.addi %mul3A_2, %mul3A_82 : i32
      %dma_start3A_84 = arith.constant 0 : i32
      %dma_start3A_85 = tpu.memref_slice %arg4[%add3A_83, %dma_start3A_84] : memref<819200x128xf32, #tpu.memory_space<hbm>> -> memref<256x64xf32, #tpu.memory_space<hbm>>
      %dma_start3A_86 = arith.constant 0 : i32
      %dma_start3A_87 = tpu.memref_slice %arg4[%add3A_83, %dma_start3A_86] : memref<819200x128xf32, #tpu.memory_space<hbm>> -> memref<256x64xf32, #tpu.memory_space<hbm>>
      tpu.enqueue_dma source(%arg8 : memref<256x64xf32, #tpu.memory_space<vmem>>) target(%dma_start3A_87 : memref<256x64xf32, #tpu.memory_space<hbm>>) target_semaphore(%arg12 : memref<!tpu.dma_semaphore, #tpu.memory_space<semaphore_mem>>)
      %mul3A_88 = arith.constant 2 : i32
      %mul3A_89 = arith.muli %mul3A_88, %scan3A_56 : i32
      %add3A_90 = arith.constant 1 : i32
      %add3A_91 = arith.addi %mul3A_89, %add3A_90 : i32
      %dma_wait3A_92 = arith.constant 0 : i32
      %dma_wait3A_93 = arith.constant 0 : i32
      %dma_wait3A_94 = tpu.memref_slice %arg4[%dma_wait3A_92, %dma_wait3A_93] : memref<819200x128xf32, #tpu.memory_space<hbm>> -> memref<256x64xf32, #tpu.memory_space<hbm>>
      %dma_wait3A_95 = arith.constant 0 : i32
      %dma_wait3A_96 = arith.constant 0 : i32
      %dma_wait3A_97 = tpu.memref_slice %arg4[%dma_wait3A_95, %dma_wait3A_96] : memref<819200x128xf32, #tpu.memory_space<hbm>> -> memref<256x64xf32, #tpu.memory_space<hbm>>
      tpu.wait_dma2 semaphore(%arg11 : memref<!tpu.dma_semaphore, #tpu.memory_space<semaphore_mem>>) src(%dma_wait3A_97 : memref<256x64xf32, #tpu.memory_space<hbm>>) dst(%arg7 : memref<256x64xf32, #tpu.memory_space<vmem>>)
      %ge3A_98 = arith.constant 1 : i32
      %ge3A_99 = arith.cmpi sge, %scan3A_56, %ge3A_98 : i32
      %convert_element_type3A_100 = arith.extui %ge3A_99 : i1 to i32
      %cond3A_101 = arith.constant 0 : i32
      %cond3A_102 = arith.cmpi ne, %convert_element_type3A_100, %cond3A_101 : i32
      scf.if %cond3A_102 {
        %dma_wait3A_123 = arith.constant 0 : i32
        %dma_wait3A_124 = tpu.memref_slice %arg4[%mul3A_2, %dma_wait3A_123] : memref<819200x128xf32, #tpu.memory_space<hbm>> -> memref<256x64xf32, #tpu.memory_space<hbm>>
        %dma_wait3A_125 = arith.constant 0 : i32
        %dma_wait3A_126 = tpu.memref_slice %arg4[%mul3A_2, %dma_wait3A_125] : memref<819200x128xf32, #tpu.memory_space<hbm>> -> memref<256x64xf32, #tpu.memory_space<hbm>>
        tpu.wait_dma2 semaphore(%arg13 : memref<!tpu.dma_semaphore, #tpu.memory_space<semaphore_mem>>) src(%arg9 : memref<256x64xf32, #tpu.memory_space<vmem>>) dst(%dma_wait3A_126 : memref<256x64xf32, #tpu.memory_space<hbm>>)
      } else {
      }
      %scan3A_103 = arith.constant 0 : i32
      %scan3A_104 = arith.constant 0 : i32
      %scan3A_105 = arith.constant 32 : i32
      %scan3A_106 = arith.addi %scan3A_104, %scan3A_105 : i32
      %scan3A_107 = arith.constant 1 : i32
      scf.for %scan3A_123 = %scan3A_104 to %scan3A_106 step %scan3A_107  : i32 {
        %mul3A_124 = arith.constant 8 : i32
        %mul3A_125 = arith.muli %scan3A_123, %mul3A_124 : i32
        %add3A_126 = arith.constant 0 : i32
        %add3A_127 = arith.addi %mul3A_125, %add3A_126 : i32
        %get3A = arith.index_cast %add3A_127 : i32 to index
        %get3A_128 = arith.constant 0 : index
        %get3A_129 = tpu.vector_load %arg7[%get3A, %get3A_128] {strides = array<i32>} : memref<256x64xf32, #tpu.memory_space<vmem>>, vector<1x16xf32>,
        %get3A_130 = vector.shape_cast %get3A_129 : vector<1x16xf32> to vector<16xf32>
        %mul3A_131 = arith.constant 8.000000e+00 : f32
        %mul3A_132 = vector.broadcast %mul3A_131 : f32 to vector<16xf32>
        %mul3A_133 = arith.mulf %get3A_130, %mul3A_132 : vector<16xf32>
        %add3A_134 = arith.constant 0 : i32
        %add3A_135 = arith.addi %mul3A_125, %add3A_134 : i32
        %swap3A = arith.index_cast %add3A_135 : i32 to index
        %swap3A_136 = arith.constant 0 : index
        %swap3A_137 = tpu.vector_load %arg9[%swap3A, %swap3A_136] {strides = array<i32>} : memref<256x64xf32, #tpu.memory_space<vmem>>, vector<1x16xf32>,
        %swap3A_138 = vector.shape_cast %swap3A_137 : vector<1x16xf32> to vector<16xf32>
        %swap3A_139 = vector.shape_cast %mul3A_133 : vector<16xf32> to vector<1x16xf32>
        tpu.vector_store %arg9[%swap3A, %swap3A_136], %swap3A_139 {strides = array<i32>} : memref<256x64xf32, #tpu.memory_space<vmem>>, vector<1x16xf32>,
        %add3A_140 = arith.constant 0 : i32
        %add3A_141 = arith.addi %mul3A_125, %add3A_140 : i32
        %get3A_142 = arith.index_cast %add3A_141 : i32 to index
        %get3A_143 = arith.constant 16 : index
        %get3A_144 = tpu.vector_load %arg7[%get3A_142, %get3A_143] {strides = array<i32>} : memref<256x64xf32, #tpu.memory_space<vmem>>, vector<1x16xf32>,
        %get3A_145 = vector.shape_cast %get3A_144 : vector<1x16xf32> to vector<16xf32>
        %mul3A_146 = arith.constant 8.000000e+00 : f32
        %mul3A_147 = vector.broadcast %mul3A_146 : f32 to vector<16xf32>
        %mul3A_148 = arith.mulf %get3A_145, %mul3A_147 : vector<16xf32>
        %add3A_149 = arith.constant 0 : i32
        %add3A_150 = arith.addi %mul3A_125, %add3A_149 : i32
        %swap3A_151 = arith.index_cast %add3A_150 : i32 to index
        %swap3A_152 = arith.constant 16 : index
        %swap3A_153 = tpu.vector_load %arg9[%swap3A_151, %swap3A_152] {strides = array<i32>} : memref<256x64xf32, #tpu.memory_space<vmem>>, vector<1x16xf32>,
        %swap3A_154 = vector.shape_cast %swap3A_153 : vector<1x16xf32> to vector<16xf32>
        %swap3A_155 = vector.shape_cast %mul3A_148 : vector<16xf32> to vector<1x16xf32>
        tpu.vector_store %arg9[%swap3A_151, %swap3A_152], %swap3A_155 {strides = array<i32>} : memref<256x64xf32, #tpu.memory_space<vmem>>, vector<1x16xf32>,
        %add3A_156 = arith.constant 0 : i32
        %add3A_157 = arith.addi %mul3A_125, %add3A_156 : i32
        %get3A_158 = arith.index_cast %add3A_157 : i32 to index
        %get3A_159 = arith.constant 32 : index
        %get3A_160 = tpu.vector_load %arg7[%get3A_158, %get3A_159] {strides = array<i32>} : memref<256x64xf32, #tpu.memory_space<vmem>>, vector<1x16xf32>,
        %get3A_161 = vector.shape_cast %get3A_160 : vector<1x16xf32> to vector<16xf32>
        %mul3A_162 = arith.constant 8.000000e+00 : f32
        %mul3A_163 = vector.broadcast %mul3A_162 : f32 to vector<16xf32>
        %mul3A_164 = arith.mulf %get3A_161, %mul3A_163 : vector<16xf32>
        %add3A_165 = arith.constant 0 : i32
        %add3A_166 = arith.addi %mul3A_125, %add3A_165 : i32
        %swap3A_167 = arith.index_cast %add3A_166 : i32 to index
        %swap3A_168 = arith.constant 32 : index
        %swap3A_169 = tpu.vector_load %arg9[%swap3A_167, %swap3A_168] {strides = array<i32>} : memref<256x64xf32, #tpu.memory_space<vmem>>, vector<1x16xf32>,
        %swap3A_170 = vector.shape_cast %swap3A_169 : vector<1x16xf32> to vector<16xf32>
        %swap3A_171 = vector.shape_cast %mul3A_164 : vector<16xf32> to vector<1x16xf32>
        tpu.vector_store %arg9[%swap3A_167, %swap3A_168], %swap3A_171 {strides = array<i32>} : memref<256x64xf32, #tpu.memory_space<vmem>>, vector<1x16xf32>,
        %add3A_172 = arith.constant 0 : i32
        %add3A_173 = arith.addi %mul3A_125, %add3A_172 : i32
        %get3A_174 = arith.index_cast %add3A_173 : i32 to index
        %get3A_175 = arith.constant 48 : index
        %get3A_176 = tpu.vector_load %arg7[%get3A_174, %get3A_175] {strides = array<i32>} : memref<256x64xf32, #tpu.memory_space<vmem>>, vector<1x16xf32>,
        %get3A_177 = vector.shape_cast %get3A_176 : vector<1x16xf32> to vector<16xf32>
        %mul3A_178 = arith.constant 8.000000e+00 : f32
        %mul3A_179 = vector.broadcast %mul3A_178 : f32 to vector<16xf32>
        %mul3A_180 = arith.mulf %get3A_177, %mul3A_179 : vector<16xf32>
        %add3A_181 = arith.constant 0 : i32
        %add3A_182 = arith.addi %mul3A_125, %add3A_181 : i32
        %swap3A_183 = arith.index_cast %add3A_182 : i32 to index
        %swap3A_184 = arith.constant 48 : index
        %swap3A_185 = tpu.vector_load %arg9[%swap3A_183, %swap3A_184] {strides = array<i32>} : memref<256x64xf32, #tpu.memory_space<vmem>>, vector<1x16xf32>,
        %swap3A_186 = vector.shape_cast %swap3A_185 : vector<1x16xf32> to vector<16xf32>
        %swap3A_187 = vector.shape_cast %mul3A_180 : vector<16xf32> to vector<1x16xf32>
        tpu.vector_store %arg9[%swap3A_183, %swap3A_184], %swap3A_187 {strides = array<i32>} : memref<256x64xf32, #tpu.memory_space<vmem>>, vector<1x16xf32>,
        %add3A_188 = arith.constant 1 : i32
        %add3A_189 = arith.addi %mul3A_125, %add3A_188 : i32
        %get3A_190 = arith.index_cast %add3A_189 : i32 to index
        %get3A_191 = arith.constant 0 : index
        %get3A_192 = tpu.vector_load %arg7[%get3A_190, %get3A_191] {strides = array<i32>} : memref<256x64xf32, #tpu.memory_space<vmem>>, vector<1x16xf32>,
        %get3A_193 = vector.shape_cast %get3A_192 : vector<1x16xf32> to vector<16xf32>
        %mul3A_194 = arith.constant 8.000000e+00 : f32
        %mul3A_195 = vector.broadcast %mul3A_194 : f32 to vector<16xf32>
        %mul3A_196 = arith.mulf %get3A_193, %mul3A_195 : vector<16xf32>
        %add3A_197 = arith.constant 1 : i32
        %add3A_198 = arith.addi %mul3A_125, %add3A_197 : i32
        %swap3A_199 = arith.index_cast %add3A_198 : i32 to index
        %swap3A_200 = arith.constant 0 : index
        %swap3A_201 = tpu.vector_load %arg9[%swap3A_199, %swap3A_200] {strides = array<i32>} : memref<256x64xf32, #tpu.memory_space<vmem>>, vector<1x16xf32>,
        %swap3A_202 = vector.shape_cast %swap3A_201 : vector<1x16xf32> to vector<16xf32>
        %swap3A_203 = vector.shape_cast %mul3A_196 : vector<16xf32> to vector<1x16xf32>
        tpu.vector_store %arg9[%swap3A_199, %swap3A_200], %swap3A_203 {strides = array<i32>} : memref<256x64xf32, #tpu.memory_space<vmem>>, vector<1x16xf32>,
        %add3A_204 = arith.constant 1 : i32
        %add3A_205 = arith.addi %mul3A_125, %add3A_204 : i32
        %get3A_206 = arith.index_cast %add3A_205 : i32 to index
        %get3A_207 = arith.constant 16 : index
        %get3A_208 = tpu.vector_load %arg7[%get3A_206, %get3A_207] {strides = array<i32>} : memref<256x64xf32, #tpu.memory_space<vmem>>, vector<1x16xf32>,
        %get3A_209 = vector.shape_cast %get3A_208 : vector<1x16xf32> to vector<16xf32>
        %mul3A_210 = arith.constant 8.000000e+00 : f32
        %mul3A_211 = vector.broadcast %mul3A_210 : f32 to vector<16xf32>
        %mul3A_212 = arith.mulf %get3A_209, %mul3A_211 : vector<16xf32>
        %add3A_213 = arith.constant 1 : i32
        %add3A_214 = arith.addi %mul3A_125, %add3A_213 : i32
        %swap3A_215 = arith.index_cast %add3A_214 : i32 to index
        %swap3A_216 = arith.constant 16 : index
        %swap3A_217 = tpu.vector_load %arg9[%swap3A_215, %swap3A_216] {strides = array<i32>} : memref<256x64xf32, #tpu.memory_space<vmem>>, vector<1x16xf32>,
        %swap3A_218 = vector.shape_cast %swap3A_217 : vector<1x16xf32> to vector<16xf32>
        %swap3A_219 = vector.shape_cast %mul3A_212 : vector<16xf32> to vector<1x16xf32>
        tpu.vector_store %arg9[%swap3A_215, %swap3A_216], %swap3A_219 {strides = array<i32>} : memref<256x64xf32, #tpu.memory_space<vmem>>, vector<1x16xf32>,
        %add3A_220 = arith.constant 1 : i32
        %add3A_221 = arith.addi %mul3A_125, %add3A_220 : i32
        %get3A_222 = arith.index_cast %add3A_221 : i32 to index
        %get3A_223 = arith.constant 32 : index
        %get3A_224 = tpu.vector_load %arg7[%get3A_222, %get3A_223] {strides = array<i32>} : memref<256x64xf32, #tpu.memory_space<vmem>>, vector<1x16xf32>,
        %get3A_225 = vector.shape_cast %get3A_224 : vector<1x16xf32> to vector<16xf32>
        %mul3A_226 = arith.constant 8.000000e+00 : f32
        %mul3A_227 = vector.broadcast %mul3A_226 : f32 to vector<16xf32>
        %mul3A_228 = arith.mulf %get3A_225, %mul3A_227 : vector<16xf32>
        %add3A_229 = arith.constant 1 : i32
        %add3A_230 = arith.addi %mul3A_125, %add3A_229 : i32
        %swap3A_231 = arith.index_cast %add3A_230 : i32 to index
        %swap3A_232 = arith.constant 32 : index
        %swap3A_233 = tpu.vector_load %arg9[%swap3A_231, %swap3A_232] {strides = array<i32>} : memref<256x64xf32, #tpu.memory_space<vmem>>, vector<1x16xf32>,
        %swap3A_234 = vector.shape_cast %swap3A_233 : vector<1x16xf32> to vector<16xf32>
        %swap3A_235 = vector.shape_cast %mul3A_228 : vector<16xf32> to vector<1x16xf32>
        tpu.vector_store %arg9[%swap3A_231, %swap3A_232], %swap3A_235 {strides = array<i32>} : memref<256x64xf32, #tpu.memory_space<vmem>>, vector<1x16xf32>,
        %add3A_236 = arith.constant 1 : i32
        %add3A_237 = arith.addi %mul3A_125, %add3A_236 : i32
        %get3A_238 = arith.index_cast %add3A_237 : i32 to index
        %get3A_239 = arith.constant 48 : index
        %get3A_240 = tpu.vector_load %arg7[%get3A_238, %get3A_239] {strides = array<i32>} : memref<256x64xf32, #tpu.memory_space<vmem>>, vector<1x16xf32>,
        %get3A_241 = vector.shape_cast %get3A_240 : vector<1x16xf32> to vector<16xf32>
        %mul3A_242 = arith.constant 8.000000e+00 : f32
        %mul3A_243 = vector.broadcast %mul3A_242 : f32 to vector<16xf32>
        %mul3A_244 = arith.mulf %get3A_241, %mul3A_243 : vector<16xf32>
        %add3A_245 = arith.constant 1 : i32
        %add3A_246 = arith.addi %mul3A_125, %add3A_245 : i32
        %swap3A_247 = arith.index_cast %add3A_246 : i32 to index
        %swap3A_248 = arith.constant 48 : index
        %swap3A_249 = tpu.vector_load %arg9[%swap3A_247, %swap3A_248] {strides = array<i32>} : memref<256x64xf32, #tpu.memory_space<vmem>>, vector<1x16xf32>,
        %swap3A_250 = vector.shape_cast %swap3A_249 : vector<1x16xf32> to vector<16xf32>
        %swap3A_251 = vector.shape_cast %mul3A_244 : vector<16xf32> to vector<1x16xf32>
        tpu.vector_store %arg9[%swap3A_247, %swap3A_248], %swap3A_251 {strides = array<i32>} : memref<256x64xf32, #tpu.memory_space<vmem>>, vector<1x16xf32>,
        %add3A_252 = arith.constant 2 : i32
        %add3A_253 = arith.addi %mul3A_125, %add3A_252 : i32
        %get3A_254 = arith.index_cast %add3A_253 : i32 to index
        %get3A_255 = arith.constant 0 : index
        %get3A_256 = tpu.vector_load %arg7[%get3A_254, %get3A_255] {strides = array<i32>} : memref<256x64xf32, #tpu.memory_space<vmem>>, vector<1x16xf32>,
        %get3A_257 = vector.shape_cast %get3A_256 : vector<1x16xf32> to vector<16xf32>
        %mul3A_258 = arith.constant 8.000000e+00 : f32
        %mul3A_259 = vector.broadcast %mul3A_258 : f32 to vector<16xf32>
        %mul3A_260 = arith.mulf %get3A_257, %mul3A_259 : vector<16xf32>
        %add3A_261 = arith.constant 2 : i32
        %add3A_262 = arith.addi %mul3A_125, %add3A_261 : i32
        %swap3A_263 = arith.index_cast %add3A_262 : i32 to index
        %swap3A_264 = arith.constant 0 : index
        %swap3A_265 = tpu.vector_load %arg9[%swap3A_263, %swap3A_264] {strides = array<i32>} : memref<256x64xf32, #tpu.memory_space<vmem>>, vector<1x16xf32>,
        %swap3A_266 = vector.shape_cast %swap3A_265 : vector<1x16xf32> to vector<16xf32>
        %swap3A_267 = vector.shape_cast %mul3A_260 : vector<16xf32> to vector<1x16xf32>
        tpu.vector_store %arg9[%swap3A_263, %swap3A_264], %swap3A_267 {strides = array<i32>} : memref<256x64xf32, #tpu.memory_space<vmem>>, vector<1x16xf32>,
        %add3A_268 = arith.constant 2 : i32
        %add3A_269 = arith.addi %mul3A_125, %add3A_268 : i32
        %get3A_270 = arith.index_cast %add3A_269 : i32 to index
        %get3A_271 = arith.constant 16 : index
        %get3A_272 = tpu.vector_load %arg7[%get3A_270, %get3A_271] {strides = array<i32>} : memref<256x64xf32, #tpu.memory_space<vmem>>, vector<1x16xf32>,
        %get3A_273 = vector.shape_cast %get3A_272 : vector<1x16xf32> to vector<16xf32>
        %mul3A_274 = arith.constant 8.000000e+00 : f32
        %mul3A_275 = vector.broadcast %mul3A_274 : f32 to vector<16xf32>
        %mul3A_276 = arith.mulf %get3A_273, %mul3A_275 : vector<16xf32>
        %add3A_277 = arith.constant 2 : i32
        %add3A_278 = arith.addi %mul3A_125, %add3A_277 : i32
        %swap3A_279 = arith.index_cast %add3A_278 : i32 to index
        %swap3A_280 = arith.constant 16 : index
        %swap3A_281 = tpu.vector_load %arg9[%swap3A_279, %swap3A_280] {strides = array<i32>} : memref<256x64xf32, #tpu.memory_space<vmem>>, vector<1x16xf32>,
        %swap3A_282 = vector.shape_cast %swap3A_281 : vector<1x16xf32> to vector<16xf32>
        %swap3A_283 = vector.shape_cast %mul3A_276 : vector<16xf32> to vector<1x16xf32>
        tpu.vector_store %arg9[%swap3A_279, %swap3A_280], %swap3A_283 {strides = array<i32>} : memref<256x64xf32, #tpu.memory_space<vmem>>, vector<1x16xf32>,
        %add3A_284 = arith.constant 2 : i32
        %add3A_285 = arith.addi %mul3A_125, %add3A_284 : i32
        %get3A_286 = arith.index_cast %add3A_285 : i32 to index
        %get3A_287 = arith.constant 32 : index
        %get3A_288 = tpu.vector_load %arg7[%get3A_286, %get3A_287] {strides = array<i32>} : memref<256x64xf32, #tpu.memory_space<vmem>>, vector<1x16xf32>,
        %get3A_289 = vector.shape_cast %get3A_288 : vector<1x16xf32> to vector<16xf32>
        %mul3A_290 = arith.constant 8.000000e+00 : f32
        %mul3A_291 = vector.broadcast %mul3A_290 : f32 to vector<16xf32>
        %mul3A_292 = arith.mulf %get3A_289, %mul3A_291 : vector<16xf32>
        %add3A_293 = arith.constant 2 : i32
        %add3A_294 = arith.addi %mul3A_125, %add3A_293 : i32
        %swap3A_295 = arith.index_cast %add3A_294 : i32 to index
        %swap3A_296 = arith.constant 32 : index
        %swap3A_297 = tpu.vector_load %arg9[%swap3A_295, %swap3A_296] {strides = array<i32>} : memref<256x64xf32, #tpu.memory_space<vmem>>, vector<1x16xf32>,
        %swap3A_298 = vector.shape_cast %swap3A_297 : vector<1x16xf32> to vector<16xf32>
        %swap3A_299 = vector.shape_cast %mul3A_292 : vector<16xf32> to vector<1x16xf32>
        tpu.vector_store %arg9[%swap3A_295, %swap3A_296], %swap3A_299 {strides = array<i32>} : memref<256x64xf32, #tpu.memory_space<vmem>>, vector<1x16xf32>,
        %add3A_300 = arith.constant 2 : i32
        %add3A_301 = arith.addi %mul3A_125, %add3A_300 : i32
        %get3A_302 = arith.index_cast %add3A_301 : i32 to index
        %get3A_303 = arith.constant 48 : index
        %get3A_304 = tpu.vector_load %arg7[%get3A_302, %get3A_303] {strides = array<i32>} : memref<256x64xf32, #tpu.memory_space<vmem>>, vector<1x16xf32>,
        %get3A_305 = vector.shape_cast %get3A_304 : vector<1x16xf32> to vector<16xf32>
        %mul3A_306 = arith.constant 8.000000e+00 : f32
        %mul3A_307 = vector.broadcast %mul3A_306 : f32 to vector<16xf32>
        %mul3A_308 = arith.mulf %get3A_305, %mul3A_307 : vector<16xf32>
        %add3A_309 = arith.constant 2 : i32
        %add3A_310 = arith.addi %mul3A_125, %add3A_309 : i32
        %swap3A_311 = arith.index_cast %add3A_310 : i32 to index
        %swap3A_312 = arith.constant 48 : index
        %swap3A_313 = tpu.vector_load %arg9[%swap3A_311, %swap3A_312] {strides = array<i32>} : memref<256x64xf32, #tpu.memory_space<vmem>>, vector<1x16xf32>,
        %swap3A_314 = vector.shape_cast %swap3A_313 : vector<1x16xf32> to vector<16xf32>
        %swap3A_315 = vector.shape_cast %mul3A_308 : vector<16xf32> to vector<1x16xf32>
        tpu.vector_store %arg9[%swap3A_311, %swap3A_312], %swap3A_315 {strides = array<i32>} : memref<256x64xf32, #tpu.memory_space<vmem>>, vector<1x16xf32>,
        %add3A_316 = arith.constant 3 : i32
        %add3A_317 = arith.addi %mul3A_125, %add3A_316 : i32
        %get3A_318 = arith.index_cast %add3A_317 : i32 to index
        %get3A_319 = arith.constant 0 : index
        %get3A_320 = tpu.vector_load %arg7[%get3A_318, %get3A_319] {strides = array<i32>} : memref<256x64xf32, #tpu.memory_space<vmem>>, vector<1x16xf32>,
        %get3A_321 = vector.shape_cast %get3A_320 : vector<1x16xf32> to vector<16xf32>
        %mul3A_322 = arith.constant 8.000000e+00 : f32
        %mul3A_323 = vector.broadcast %mul3A_322 : f32 to vector<16xf32>
        %mul3A_324 = arith.mulf %get3A_321, %mul3A_323 : vector<16xf32>
        %add3A_325 = arith.constant 3 : i32
        %add3A_326 = arith.addi %mul3A_125, %add3A_325 : i32
        %swap3A_327 = arith.index_cast %add3A_326 : i32 to index
        %swap3A_328 = arith.constant 0 : index
        %swap3A_329 = tpu.vector_load %arg9[%swap3A_327, %swap3A_328] {strides = array<i32>} : memref<256x64xf32, #tpu.memory_space<vmem>>, vector<1x16xf32>,
        %swap3A_330 = vector.shape_cast %swap3A_329 : vector<1x16xf32> to vector<16xf32>
        %swap3A_331 = vector.shape_cast %mul3A_324 : vector<16xf32> to vector<1x16xf32>
        tpu.vector_store %arg9[%swap3A_327, %swap3A_328], %swap3A_331 {strides = array<i32>} : memref<256x64xf32, #tpu.memory_space<vmem>>, vector<1x16xf32>,
        %add3A_332 = arith.constant 3 : i32
        %add3A_333 = arith.addi %mul3A_125, %add3A_332 : i32
        %get3A_334 = arith.index_cast %add3A_333 : i32 to index
        %get3A_335 = arith.constant 16 : index
        %get3A_336 = tpu.vector_load %arg7[%get3A_334, %get3A_335] {strides = array<i32>} : memref<256x64xf32, #tpu.memory_space<vmem>>, vector<1x16xf32>,
        %get3A_337 = vector.shape_cast %get3A_336 : vector<1x16xf32> to vector<16xf32>
        %mul3A_338 = arith.constant 8.000000e+00 : f32
        %mul3A_339 = vector.broadcast %mul3A_338 : f32 to vector<16xf32>
        %mul3A_340 = arith.mulf %get3A_337, %mul3A_339 : vector<16xf32>
        %add3A_341 = arith.constant 3 : i32
        %add3A_342 = arith.addi %mul3A_125, %add3A_341 : i32
        %swap3A_343 = arith.index_cast %add3A_342 : i32 to index
        %swap3A_344 = arith.constant 16 : index
        %swap3A_345 = tpu.vector_load %arg9[%swap3A_343, %swap3A_344] {strides = array<i32>} : memref<256x64xf32, #tpu.memory_space<vmem>>, vector<1x16xf32>,
        %swap3A_346 = vector.shape_cast %swap3A_345 : vector<1x16xf32> to vector<16xf32>
        %swap3A_347 = vector.shape_cast %mul3A_340 : vector<16xf32> to vector<1x16xf32>
        tpu.vector_store %arg9[%swap3A_343, %swap3A_344], %swap3A_347 {strides = array<i32>} : memref<256x64xf32, #tpu.memory_space<vmem>>, vector<1x16xf32>,
        %add3A_348 = arith.constant 3 : i32
        %add3A_349 = arith.addi %mul3A_125, %add3A_348 : i32
        %get3A_350 = arith.index_cast %add3A_349 : i32 to index
        %get3A_351 = arith.constant 32 : index
        %get3A_352 = tpu.vector_load %arg7[%get3A_350, %get3A_351] {strides = array<i32>} : memref<256x64xf32, #tpu.memory_space<vmem>>, vector<1x16xf32>,
        %get3A_353 = vector.shape_cast %get3A_352 : vector<1x16xf32> to vector<16xf32>
        %mul3A_354 = arith.constant 8.000000e+00 : f32
        %mul3A_355 = vector.broadcast %mul3A_354 : f32 to vector<16xf32>
        %mul3A_356 = arith.mulf %get3A_353, %mul3A_355 : vector<16xf32>
        %add3A_357 = arith.constant 3 : i32
        %add3A_358 = arith.addi %mul3A_125, %add3A_357 : i32
        %swap3A_359 = arith.index_cast %add3A_358 : i32 to index
        %swap3A_360 = arith.constant 32 : index
        %swap3A_361 = tpu.vector_load %arg9[%swap3A_359, %swap3A_360] {strides = array<i32>} : memref<256x64xf32, #tpu.memory_space<vmem>>, vector<1x16xf32>,
        %swap3A_362 = vector.shape_cast %swap3A_361 : vector<1x16xf32> to vector<16xf32>
        %swap3A_363 = vector.shape_cast %mul3A_356 : vector<16xf32> to vector<1x16xf32>
        tpu.vector_store %arg9[%swap3A_359, %swap3A_360], %swap3A_363 {strides = array<i32>} : memref<256x64xf32, #tpu.memory_space<vmem>>, vector<1x16xf32>,
        %add3A_364 = arith.constant 3 : i32
        %add3A_365 = arith.addi %mul3A_125, %add3A_364 : i32
        %get3A_366 = arith.index_cast %add3A_365 : i32 to index
        %get3A_367 = arith.constant 48 : index
        %get3A_368 = tpu.vector_load %arg7[%get3A_366, %get3A_367] {strides = array<i32>} : memref<256x64xf32, #tpu.memory_space<vmem>>, vector<1x16xf32>,
        %get3A_369 = vector.shape_cast %get3A_368 : vector<1x16xf32> to vector<16xf32>
        %mul3A_370 = arith.constant 8.000000e+00 : f32
        %mul3A_371 = vector.broadcast %mul3A_370 : f32 to vector<16xf32>
        %mul3A_372 = arith.mulf %get3A_369, %mul3A_371 : vector<16xf32>
        %add3A_373 = arith.constant 3 : i32
        %add3A_374 = arith.addi %mul3A_125, %add3A_373 : i32
        %swap3A_375 = arith.index_cast %add3A_374 : i32 to index
        %swap3A_376 = arith.constant 48 : index
        %swap3A_377 = tpu.vector_load %arg9[%swap3A_375, %swap3A_376] {strides = array<i32>} : memref<256x64xf32, #tpu.memory_space<vmem>>, vector<1x16xf32>,
        %swap3A_378 = vector.shape_cast %swap3A_377 : vector<1x16xf32> to vector<16xf32>
        %swap3A_379 = vector.shape_cast %mul3A_372 : vector<16xf32> to vector<1x16xf32>
        tpu.vector_store %arg9[%swap3A_375, %swap3A_376], %swap3A_379 {strides = array<i32>} : memref<256x64xf32, #tpu.memory_space<vmem>>, vector<1x16xf32>,
        %add3A_380 = arith.constant 4 : i32
        %add3A_381 = arith.addi %mul3A_125, %add3A_380 : i32
        %get3A_382 = arith.index_cast %add3A_381 : i32 to index
        %get3A_383 = arith.constant 0 : index
        %get3A_384 = tpu.vector_load %arg7[%get3A_382, %get3A_383] {strides = array<i32>} : memref<256x64xf32, #tpu.memory_space<vmem>>, vector<1x16xf32>,
        %get3A_385 = vector.shape_cast %get3A_384 : vector<1x16xf32> to vector<16xf32>
        %mul3A_386 = arith.constant 8.000000e+00 : f32
        %mul3A_387 = vector.broadcast %mul3A_386 : f32 to vector<16xf32>
        %mul3A_388 = arith.mulf %get3A_385, %mul3A_387 : vector<16xf32>
        %add3A_389 = arith.constant 4 : i32
        %add3A_390 = arith.addi %mul3A_125, %add3A_389 : i32
        %swap3A_391 = arith.index_cast %add3A_390 : i32 to index
        %swap3A_392 = arith.constant 0 : index
        %swap3A_393 = tpu.vector_load %arg9[%swap3A_391, %swap3A_392] {strides = array<i32>} : memref<256x64xf32, #tpu.memory_space<vmem>>, vector<1x16xf32>,
        %swap3A_394 = vector.shape_cast %swap3A_393 : vector<1x16xf32> to vector<16xf32>
        %swap3A_395 = vector.shape_cast %mul3A_388 : vector<16xf32> to vector<1x16xf32>
        tpu.vector_store %arg9[%swap3A_391, %swap3A_392], %swap3A_395 {strides = array<i32>} : memref<256x64xf32, #tpu.memory_space<vmem>>, vector<1x16xf32>,
        %add3A_396 = arith.constant 4 : i32
        %add3A_397 = arith.addi %mul3A_125, %add3A_396 : i32
        %get3A_398 = arith.index_cast %add3A_397 : i32 to index
        %get3A_399 = arith.constant 16 : index
        %get3A_400 = tpu.vector_load %arg7[%get3A_398, %get3A_399] {strides = array<i32>} : memref<256x64xf32, #tpu.memory_space<vmem>>, vector<1x16xf32>,
        %get3A_401 = vector.shape_cast %get3A_400 : vector<1x16xf32> to vector<16xf32>
        %mul3A_402 = arith.constant 8.000000e+00 : f32
        %mul3A_403 = vector.broadcast %mul3A_402 : f32 to vector<16xf32>
        %mul3A_404 = arith.mulf %get3A_401, %mul3A_403 : vector<16xf32>
        %add3A_405 = arith.constant 4 : i32
        %add3A_406 = arith.addi %mul3A_125, %add3A_405 : i32
        %swap3A_407 = arith.index_cast %add3A_406 : i32 to index
        %swap3A_408 = arith.constant 16 : index
        %swap3A_409 = tpu.vector_load %arg9[%swap3A_407, %swap3A_408] {strides = array<i32>} : memref<256x64xf32, #tpu.memory_space<vmem>>, vector<1x16xf32>,
        %swap3A_410 = vector.shape_cast %swap3A_409 : vector<1x16xf32> to vector<16xf32>
        %swap3A_411 = vector.shape_cast %mul3A_404 : vector<16xf32> to vector<1x16xf32>
        tpu.vector_store %arg9[%swap3A_407, %swap3A_408], %swap3A_411 {strides = array<i32>} : memref<256x64xf32, #tpu.memory_space<vmem>>, vector<1x16xf32>,
        %add3A_412 = arith.constant 4 : i32
        %add3A_413 = arith.addi %mul3A_125, %add3A_412 : i32
        %get3A_414 = arith.index_cast %add3A_413 : i32 to index
        %get3A_415 = arith.constant 32 : index
        %get3A_416 = tpu.vector_load %arg7[%get3A_414, %get3A_415] {strides = array<i32>} : memref<256x64xf32, #tpu.memory_space<vmem>>, vector<1x16xf32>,
        %get3A_417 = vector.shape_cast %get3A_416 : vector<1x16xf32> to vector<16xf32>
        %mul3A_418 = arith.constant 8.000000e+00 : f32
        %mul3A_419 = vector.broadcast %mul3A_418 : f32 to vector<16xf32>
        %mul3A_420 = arith.mulf %get3A_417, %mul3A_419 : vector<16xf32>
        %add3A_421 = arith.constant 4 : i32
        %add3A_422 = arith.addi %mul3A_125, %add3A_421 : i32
        %swap3A_423 = arith.index_cast %add3A_422 : i32 to index
        %swap3A_424 = arith.constant 32 : index
        %swap3A_425 = tpu.vector_load %arg9[%swap3A_423, %swap3A_424] {strides = array<i32>} : memref<256x64xf32, #tpu.memory_space<vmem>>, vector<1x16xf32>,
        %swap3A_426 = vector.shape_cast %swap3A_425 : vector<1x16xf32> to vector<16xf32>
        %swap3A_427 = vector.shape_cast %mul3A_420 : vector<16xf32> to vector<1x16xf32>
        tpu.vector_store %arg9[%swap3A_423, %swap3A_424], %swap3A_427 {strides = array<i32>} : memref<256x64xf32, #tpu.memory_space<vmem>>, vector<1x16xf32>,
        %add3A_428 = arith.constant 4 : i32
        %add3A_429 = arith.addi %mul3A_125, %add3A_428 : i32
        %get3A_430 = arith.index_cast %add3A_429 : i32 to index
        %get3A_431 = arith.constant 48 : index
        %get3A_432 = tpu.vector_load %arg7[%get3A_430, %get3A_431] {strides = array<i32>} : memref<256x64xf32, #tpu.memory_space<vmem>>, vector<1x16xf32>,
        %get3A_433 = vector.shape_cast %get3A_432 : vector<1x16xf32> to vector<16xf32>
        %mul3A_434 = arith.constant 8.000000e+00 : f32
        %mul3A_435 = vector.broadcast %mul3A_434 : f32 to vector<16xf32>
        %mul3A_436 = arith.mulf %get3A_433, %mul3A_435 : vector<16xf32>
        %add3A_437 = arith.constant 4 : i32
        %add3A_438 = arith.addi %mul3A_125, %add3A_437 : i32
        %swap3A_439 = arith.index_cast %add3A_438 : i32 to index
        %swap3A_440 = arith.constant 48 : index
        %swap3A_441 = tpu.vector_load %arg9[%swap3A_439, %swap3A_440] {strides = array<i32>} : memref<256x64xf32, #tpu.memory_space<vmem>>, vector<1x16xf32>,
        %swap3A_442 = vector.shape_cast %swap3A_441 : vector<1x16xf32> to vector<16xf32>
        %swap3A_443 = vector.shape_cast %mul3A_436 : vector<16xf32> to vector<1x16xf32>
        tpu.vector_store %arg9[%swap3A_439, %swap3A_440], %swap3A_443 {strides = array<i32>} : memref<256x64xf32, #tpu.memory_space<vmem>>, vector<1x16xf32>,
        %add3A_444 = arith.constant 5 : i32
        %add3A_445 = arith.addi %mul3A_125, %add3A_444 : i32
        %get3A_446 = arith.index_cast %add3A_445 : i32 to index
        %get3A_447 = arith.constant 0 : index
        %get3A_448 = tpu.vector_load %arg7[%get3A_446, %get3A_447] {strides = array<i32>} : memref<256x64xf32, #tpu.memory_space<vmem>>, vector<1x16xf32>,
        %get3A_449 = vector.shape_cast %get3A_448 : vector<1x16xf32> to vector<16xf32>
        %mul3A_450 = arith.constant 8.000000e+00 : f32
        %mul3A_451 = vector.broadcast %mul3A_450 : f32 to vector<16xf32>
        %mul3A_452 = arith.mulf %get3A_449, %mul3A_451 : vector<16xf32>
        %add3A_453 = arith.constant 5 : i32
        %add3A_454 = arith.addi %mul3A_125, %add3A_453 : i32
        %swap3A_455 = arith.index_cast %add3A_454 : i32 to index
        %swap3A_456 = arith.constant 0 : index
        %swap3A_457 = tpu.vector_load %arg9[%swap3A_455, %swap3A_456] {strides = array<i32>} : memref<256x64xf32, #tpu.memory_space<vmem>>, vector<1x16xf32>,
        %swap3A_458 = vector.shape_cast %swap3A_457 : vector<1x16xf32> to vector<16xf32>
        %swap3A_459 = vector.shape_cast %mul3A_452 : vector<16xf32> to vector<1x16xf32>
        tpu.vector_store %arg9[%swap3A_455, %swap3A_456], %swap3A_459 {strides = array<i32>} : memref<256x64xf32, #tpu.memory_space<vmem>>, vector<1x16xf32>,
        %add3A_460 = arith.constant 5 : i32
        %add3A_461 = arith.addi %mul3A_125, %add3A_460 : i32
        %get3A_462 = arith.index_cast %add3A_461 : i32 to index
        %get3A_463 = arith.constant 16 : index
        %get3A_464 = tpu.vector_load %arg7[%get3A_462, %get3A_463] {strides = array<i32>} : memref<256x64xf32, #tpu.memory_space<vmem>>, vector<1x16xf32>,
        %get3A_465 = vector.shape_cast %get3A_464 : vector<1x16xf32> to vector<16xf32>
        %mul3A_466 = arith.constant 8.000000e+00 : f32
        %mul3A_467 = vector.broadcast %mul3A_466 : f32 to vector<16xf32>
        %mul3A_468 = arith.mulf %get3A_465, %mul3A_467 : vector<16xf32>
        %add3A_469 = arith.constant 5 : i32
        %add3A_470 = arith.addi %mul3A_125, %add3A_469 : i32
        %swap3A_471 = arith.index_cast %add3A_470 : i32 to index
        %swap3A_472 = arith.constant 16 : index
        %swap3A_473 = tpu.vector_load %arg9[%swap3A_471, %swap3A_472] {strides = array<i32>} : memref<256x64xf32, #tpu.memory_space<vmem>>, vector<1x16xf32>,
        %swap3A_474 = vector.shape_cast %swap3A_473 : vector<1x16xf32> to vector<16xf32>
        %swap3A_475 = vector.shape_cast %mul3A_468 : vector<16xf32> to vector<1x16xf32>
        tpu.vector_store %arg9[%swap3A_471, %swap3A_472], %swap3A_475 {strides = array<i32>} : memref<256x64xf32, #tpu.memory_space<vmem>>, vector<1x16xf32>,
        %add3A_476 = arith.constant 5 : i32
        %add3A_477 = arith.addi %mul3A_125, %add3A_476 : i32
        %get3A_478 = arith.index_cast %add3A_477 : i32 to index
        %get3A_479 = arith.constant 32 : index
        %get3A_480 = tpu.vector_load %arg7[%get3A_478, %get3A_479] {strides = array<i32>} : memref<256x64xf32, #tpu.memory_space<vmem>>, vector<1x16xf32>,
        %get3A_481 = vector.shape_cast %get3A_480 : vector<1x16xf32> to vector<16xf32>
        %mul3A_482 = arith.constant 8.000000e+00 : f32
        %mul3A_483 = vector.broadcast %mul3A_482 : f32 to vector<16xf32>
        %mul3A_484 = arith.mulf %get3A_481, %mul3A_483 : vector<16xf32>
        %add3A_485 = arith.constant 5 : i32
        %add3A_486 = arith.addi %mul3A_125, %add3A_485 : i32
        %swap3A_487 = arith.index_cast %add3A_486 : i32 to index
        %swap3A_488 = arith.constant 32 : index
        %swap3A_489 = tpu.vector_load %arg9[%swap3A_487, %swap3A_488] {strides = array<i32>} : memref<256x64xf32, #tpu.memory_space<vmem>>, vector<1x16xf32>,
        %swap3A_490 = vector.shape_cast %swap3A_489 : vector<1x16xf32> to vector<16xf32>
        %swap3A_491 = vector.shape_cast %mul3A_484 : vector<16xf32> to vector<1x16xf32>
        tpu.vector_store %arg9[%swap3A_487, %swap3A_488], %swap3A_491 {strides = array<i32>} : memref<256x64xf32, #tpu.memory_space<vmem>>, vector<1x16xf32>,
        %add3A_492 = arith.constant 5 : i32
        %add3A_493 = arith.addi %mul3A_125, %add3A_492 : i32
        %get3A_494 = arith.index_cast %add3A_493 : i32 to index
        %get3A_495 = arith.constant 48 : index
        %get3A_496 = tpu.vector_load %arg7[%get3A_494, %get3A_495] {strides = array<i32>} : memref<256x64xf32, #tpu.memory_space<vmem>>, vector<1x16xf32>,
        %get3A_497 = vector.shape_cast %get3A_496 : vector<1x16xf32> to vector<16xf32>
        %mul3A_498 = arith.constant 8.000000e+00 : f32
        %mul3A_499 = vector.broadcast %mul3A_498 : f32 to vector<16xf32>
        %mul3A_500 = arith.mulf %get3A_497, %mul3A_499 : vector<16xf32>
        %add3A_501 = arith.constant 5 : i32
        %add3A_502 = arith.addi %mul3A_125, %add3A_501 : i32
        %swap3A_503 = arith.index_cast %add3A_502 : i32 to index
        %swap3A_504 = arith.constant 48 : index
        %swap3A_505 = tpu.vector_load %arg9[%swap3A_503, %swap3A_504] {strides = array<i32>} : memref<256x64xf32, #tpu.memory_space<vmem>>, vector<1x16xf32>,
        %swap3A_506 = vector.shape_cast %swap3A_505 : vector<1x16xf32> to vector<16xf32>
        %swap3A_507 = vector.shape_cast %mul3A_500 : vector<16xf32> to vector<1x16xf32>
        tpu.vector_store %arg9[%swap3A_503, %swap3A_504], %swap3A_507 {strides = array<i32>} : memref<256x64xf32, #tpu.memory_space<vmem>>, vector<1x16xf32>,
        %add3A_508 = arith.constant 6 : i32
        %add3A_509 = arith.addi %mul3A_125, %add3A_508 : i32
        %get3A_510 = arith.index_cast %add3A_509 : i32 to index
        %get3A_511 = arith.constant 0 : index
        %get3A_512 = tpu.vector_load %arg7[%get3A_510, %get3A_511] {strides = array<i32>} : memref<256x64xf32, #tpu.memory_space<vmem>>, vector<1x16xf32>,
        %get3A_513 = vector.shape_cast %get3A_512 : vector<1x16xf32> to vector<16xf32>
        %mul3A_514 = arith.constant 8.000000e+00 : f32
        %mul3A_515 = vector.broadcast %mul3A_514 : f32 to vector<16xf32>
        %mul3A_516 = arith.mulf %get3A_513, %mul3A_515 : vector<16xf32>
        %add3A_517 = arith.constant 6 : i32
        %add3A_518 = arith.addi %mul3A_125, %add3A_517 : i32
        %swap3A_519 = arith.index_cast %add3A_518 : i32 to index
        %swap3A_520 = arith.constant 0 : index
        %swap3A_521 = tpu.vector_load %arg9[%swap3A_519, %swap3A_520] {strides = array<i32>} : memref<256x64xf32, #tpu.memory_space<vmem>>, vector<1x16xf32>,
        %swap3A_522 = vector.shape_cast %swap3A_521 : vector<1x16xf32> to vector<16xf32>
        %swap3A_523 = vector.shape_cast %mul3A_516 : vector<16xf32> to vector<1x16xf32>
        tpu.vector_store %arg9[%swap3A_519, %swap3A_520], %swap3A_523 {strides = array<i32>} : memref<256x64xf32, #tpu.memory_space<vmem>>, vector<1x16xf32>,
        %add3A_524 = arith.constant 6 : i32
        %add3A_525 = arith.addi %mul3A_125, %add3A_524 : i32
        %get3A_526 = arith.index_cast %add3A_525 : i32 to index
        %get3A_527 = arith.constant 16 : index
        %get3A_528 = tpu.vector_load %arg7[%get3A_526, %get3A_527] {strides = array<i32>} : memref<256x64xf32, #tpu.memory_space<vmem>>, vector<1x16xf32>,
        %get3A_529 = vector.shape_cast %get3A_528 : vector<1x16xf32> to vector<16xf32>
        %mul3A_530 = arith.constant 8.000000e+00 : f32
        %mul3A_531 = vector.broadcast %mul3A_530 : f32 to vector<16xf32>
        %mul3A_532 = arith.mulf %get3A_529, %mul3A_531 : vector<16xf32>
        %add3A_533 = arith.constant 6 : i32
        %add3A_534 = arith.addi %mul3A_125, %add3A_533 : i32
        %swap3A_535 = arith.index_cast %add3A_534 : i32 to index
        %swap3A_536 = arith.constant 16 : index
        %swap3A_537 = tpu.vector_load %arg9[%swap3A_535, %swap3A_536] {strides = array<i32>} : memref<256x64xf32, #tpu.memory_space<vmem>>, vector<1x16xf32>,
        %swap3A_538 = vector.shape_cast %swap3A_537 : vector<1x16xf32> to vector<16xf32>
        %swap3A_539 = vector.shape_cast %mul3A_532 : vector<16xf32> to vector<1x16xf32>
        tpu.vector_store %arg9[%swap3A_535, %swap3A_536], %swap3A_539 {strides = array<i32>} : memref<256x64xf32, #tpu.memory_space<vmem>>, vector<1x16xf32>,
        %add3A_540 = arith.constant 6 : i32
        %add3A_541 = arith.addi %mul3A_125, %add3A_540 : i32
        %get3A_542 = arith.index_cast %add3A_541 : i32 to index
        %get3A_543 = arith.constant 32 : index
        %get3A_544 = tpu.vector_load %arg7[%get3A_542, %get3A_543] {strides = array<i32>} : memref<256x64xf32, #tpu.memory_space<vmem>>, vector<1x16xf32>,
        %get3A_545 = vector.shape_cast %get3A_544 : vector<1x16xf32> to vector<16xf32>
        %mul3A_546 = arith.constant 8.000000e+00 : f32
        %mul3A_547 = vector.broadcast %mul3A_546 : f32 to vector<16xf32>
        %mul3A_548 = arith.mulf %get3A_545, %mul3A_547 : vector<16xf32>
        %add3A_549 = arith.constant 6 : i32
        %add3A_550 = arith.addi %mul3A_125, %add3A_549 : i32
        %swap3A_551 = arith.index_cast %add3A_550 : i32 to index
        %swap3A_552 = arith.constant 32 : index
        %swap3A_553 = tpu.vector_load %arg9[%swap3A_551, %swap3A_552] {strides = array<i32>} : memref<256x64xf32, #tpu.memory_space<vmem>>, vector<1x16xf32>,
        %swap3A_554 = vector.shape_cast %swap3A_553 : vector<1x16xf32> to vector<16xf32>
        %swap3A_555 = vector.shape_cast %mul3A_548 : vector<16xf32> to vector<1x16xf32>
        tpu.vector_store %arg9[%swap3A_551, %swap3A_552], %swap3A_555 {strides = array<i32>} : memref<256x64xf32, #tpu.memory_space<vmem>>, vector<1x16xf32>,
        %add3A_556 = arith.constant 6 : i32
        %add3A_557 = arith.addi %mul3A_125, %add3A_556 : i32
        %get3A_558 = arith.index_cast %add3A_557 : i32 to index
        %get3A_559 = arith.constant 48 : index
        %get3A_560 = tpu.vector_load %arg7[%get3A_558, %get3A_559] {strides = array<i32>} : memref<256x64xf32, #tpu.memory_space<vmem>>, vector<1x16xf32>,
        %get3A_561 = vector.shape_cast %get3A_560 : vector<1x16xf32> to vector<16xf32>
        %mul3A_562 = arith.constant 8.000000e+00 : f32
        %mul3A_563 = vector.broadcast %mul3A_562 : f32 to vector<16xf32>
        %mul3A_564 = arith.mulf %get3A_561, %mul3A_563 : vector<16xf32>
        %add3A_565 = arith.constant 6 : i32
        %add3A_566 = arith.addi %mul3A_125, %add3A_565 : i32
        %swap3A_567 = arith.index_cast %add3A_566 : i32 to index
        %swap3A_568 = arith.constant 48 : index
        %swap3A_569 = tpu.vector_load %arg9[%swap3A_567, %swap3A_568] {strides = array<i32>} : memref<256x64xf32, #tpu.memory_space<vmem>>, vector<1x16xf32>,
        %swap3A_570 = vector.shape_cast %swap3A_569 : vector<1x16xf32> to vector<16xf32>
        %swap3A_571 = vector.shape_cast %mul3A_564 : vector<16xf32> to vector<1x16xf32>
        tpu.vector_store %arg9[%swap3A_567, %swap3A_568], %swap3A_571 {strides = array<i32>} : memref<256x64xf32, #tpu.memory_space<vmem>>, vector<1x16xf32>,
        %add3A_572 = arith.constant 7 : i32
        %add3A_573 = arith.addi %mul3A_125, %add3A_572 : i32
        %get3A_574 = arith.index_cast %add3A_573 : i32 to index
        %get3A_575 = arith.constant 0 : index
        %get3A_576 = tpu.vector_load %arg7[%get3A_574, %get3A_575] {strides = array<i32>} : memref<256x64xf32, #tpu.memory_space<vmem>>, vector<1x16xf32>,
        %get3A_577 = vector.shape_cast %get3A_576 : vector<1x16xf32> to vector<16xf32>
        %mul3A_578 = arith.constant 8.000000e+00 : f32
        %mul3A_579 = vector.broadcast %mul3A_578 : f32 to vector<16xf32>
        %mul3A_580 = arith.mulf %get3A_577, %mul3A_579 : vector<16xf32>
        %add3A_581 = arith.constant 7 : i32
        %add3A_582 = arith.addi %mul3A_125, %add3A_581 : i32
        %swap3A_583 = arith.index_cast %add3A_582 : i32 to index
        %swap3A_584 = arith.constant 0 : index
        %swap3A_585 = tpu.vector_load %arg9[%swap3A_583, %swap3A_584] {strides = array<i32>} : memref<256x64xf32, #tpu.memory_space<vmem>>, vector<1x16xf32>,
        %swap3A_586 = vector.shape_cast %swap3A_585 : vector<1x16xf32> to vector<16xf32>
        %swap3A_587 = vector.shape_cast %mul3A_580 : vector<16xf32> to vector<1x16xf32>
        tpu.vector_store %arg9[%swap3A_583, %swap3A_584], %swap3A_587 {strides = array<i32>} : memref<256x64xf32, #tpu.memory_space<vmem>>, vector<1x16xf32>,
        %add3A_588 = arith.constant 7 : i32
        %add3A_589 = arith.addi %mul3A_125, %add3A_588 : i32
        %get3A_590 = arith.index_cast %add3A_589 : i32 to index
        %get3A_591 = arith.constant 16 : index
        %get3A_592 = tpu.vector_load %arg7[%get3A_590, %get3A_591] {strides = array<i32>} : memref<256x64xf32, #tpu.memory_space<vmem>>, vector<1x16xf32>,
        %get3A_593 = vector.shape_cast %get3A_592 : vector<1x16xf32> to vector<16xf32>
        %mul3A_594 = arith.constant 8.000000e+00 : f32
        %mul3A_595 = vector.broadcast %mul3A_594 : f32 to vector<16xf32>
        %mul3A_596 = arith.mulf %get3A_593, %mul3A_595 : vector<16xf32>
        %add3A_597 = arith.constant 7 : i32
        %add3A_598 = arith.addi %mul3A_125, %add3A_597 : i32
        %swap3A_599 = arith.index_cast %add3A_598 : i32 to index
        %swap3A_600 = arith.constant 16 : index
        %swap3A_601 = tpu.vector_load %arg9[%swap3A_599, %swap3A_600] {strides = array<i32>} : memref<256x64xf32, #tpu.memory_space<vmem>>, vector<1x16xf32>,
        %swap3A_602 = vector.shape_cast %swap3A_601 : vector<1x16xf32> to vector<16xf32>
        %swap3A_603 = vector.shape_cast %mul3A_596 : vector<16xf32> to vector<1x16xf32>
        tpu.vector_store %arg9[%swap3A_599, %swap3A_600], %swap3A_603 {strides = array<i32>} : memref<256x64xf32, #tpu.memory_space<vmem>>, vector<1x16xf32>,
        %add3A_604 = arith.constant 7 : i32
        %add3A_605 = arith.addi %mul3A_125, %add3A_604 : i32
        %get3A_606 = arith.index_cast %add3A_605 : i32 to index
        %get3A_607 = arith.constant 32 : index
        %get3A_608 = tpu.vector_load %arg7[%get3A_606, %get3A_607] {strides = array<i32>} : memref<256x64xf32, #tpu.memory_space<vmem>>, vector<1x16xf32>,
        %get3A_609 = vector.shape_cast %get3A_608 : vector<1x16xf32> to vector<16xf32>
        %mul3A_610 = arith.constant 8.000000e+00 : f32
        %mul3A_611 = vector.broadcast %mul3A_610 : f32 to vector<16xf32>
        %mul3A_612 = arith.mulf %get3A_609, %mul3A_611 : vector<16xf32>
        %add3A_613 = arith.constant 7 : i32
        %add3A_614 = arith.addi %mul3A_125, %add3A_613 : i32
        %swap3A_615 = arith.index_cast %add3A_614 : i32 to index
        %swap3A_616 = arith.constant 32 : index
        %swap3A_617 = tpu.vector_load %arg9[%swap3A_615, %swap3A_616] {strides = array<i32>} : memref<256x64xf32, #tpu.memory_space<vmem>>, vector<1x16xf32>,
        %swap3A_618 = vector.shape_cast %swap3A_617 : vector<1x16xf32> to vector<16xf32>
        %swap3A_619 = vector.shape_cast %mul3A_612 : vector<16xf32> to vector<1x16xf32>
        tpu.vector_store %arg9[%swap3A_615, %swap3A_616], %swap3A_619 {strides = array<i32>} : memref<256x64xf32, #tpu.memory_space<vmem>>, vector<1x16xf32>,
        %add3A_620 = arith.constant 7 : i32
        %add3A_621 = arith.addi %mul3A_125, %add3A_620 : i32
        %get3A_622 = arith.index_cast %add3A_621 : i32 to index
        %get3A_623 = arith.constant 48 : index
        %get3A_624 = tpu.vector_load %arg7[%get3A_622, %get3A_623] {strides = array<i32>} : memref<256x64xf32, #tpu.memory_space<vmem>>, vector<1x16xf32>,
        %get3A_625 = vector.shape_cast %get3A_624 : vector<1x16xf32> to vector<16xf32>
        %mul3A_626 = arith.constant 8.000000e+00 : f32
        %mul3A_627 = vector.broadcast %mul3A_626 : f32 to vector<16xf32>
        %mul3A_628 = arith.mulf %get3A_625, %mul3A_627 : vector<16xf32>
        %add3A_629 = arith.constant 7 : i32
        %add3A_630 = arith.addi %mul3A_125, %add3A_629 : i32
        %swap3A_631 = arith.index_cast %add3A_630 : i32 to index
        %swap3A_632 = arith.constant 48 : index
        %swap3A_633 = tpu.vector_load %arg9[%swap3A_631, %swap3A_632] {strides = array<i32>} : memref<256x64xf32, #tpu.memory_space<vmem>>, vector<1x16xf32>,
        %swap3A_634 = vector.shape_cast %swap3A_633 : vector<1x16xf32> to vector<16xf32>
        %swap3A_635 = vector.shape_cast %mul3A_628 : vector<16xf32> to vector<1x16xf32>
        tpu.vector_store %arg9[%swap3A_631, %swap3A_632], %swap3A_635 {strides = array<i32>} : memref<256x64xf32, #tpu.memory_space<vmem>>, vector<1x16xf32>,
      }
      %scan3A_108 = arith.constant 32 : i32
      %add3A_109 = arith.constant 2 : i32
      %add3A_110 = arith.addi %add3A_91, %add3A_109 : i32
      %lt3A_111 = arith.constant 100 : i32
      %lt3A_112 = arith.cmpi slt, %add3A_110, %lt3A_111 : i32
      %convert_element_type3A_113 = arith.extui %lt3A_112 : i1 to i32
      %cond3A_114 = arith.constant 0 : i32
      %cond3A_115 = arith.cmpi ne, %convert_element_type3A_113, %cond3A_114 : i32
      scf.if %cond3A_115 {
        %add3A_123 = arith.constant 2 : i32
        %add3A_124 = arith.addi %add3A_91, %add3A_123 : i32
        %mul3A_125 = arith.constant 2 : i32
        %mul3A_126 = arith.muli %add3A_124, %mul3A_125 : i32
        %add3A_127 = arith.constant 0 : i32
        %add3A_128 = arith.addi %mul3A_126, %add3A_127 : i32
        %dma_start3A_129 = arith.constant 0 : i32
        %dma_start3A_130 = arith.constant 0 : i32
        %dma_start3A_131 = tpu.memref_slice %arg7[%dma_start3A_129, %dma_start3A_130] : memref<256x64xf32, #tpu.memory_space<vmem>> -> memref<128x64xf32, #tpu.memory_space<vmem>>
        %dma_start3A_132 = arith.constant 0 : i32
        %dma_start3A_133 = tpu.memref_slice %arg5[%add3A_128, %dma_start3A_132] : memref<200x128xi32, #tpu.memory_space<vmem>> -> memref<1x128xi32, #tpu.memory_space<vmem>>
        %dma_start3A_134 = tpu.memref_squeeze %dma_start3A_133 : memref<1x128xi32, #tpu.memory_space<vmem>> -> memref<128xi32, #tpu.memory_space<vmem>>
        %dma_start3A_135 = arith.constant 0 : i32
        %dma_start3A_136 = arith.constant 0 : i32
        %dma_start3A_137 = tpu.memref_slice %arg3[%dma_start3A_135, %dma_start3A_136] : memref<1000000x64xf32, #tpu.memory_space<hbm>> -> memref<1000000x64xf32, #tpu.memory_space<hbm>>
        tpu.enqueue_indirect_dma source(%dma_start3A_137 : memref<1000000x64xf32, #tpu.memory_space<hbm>>) target(%dma_start3A_131 : memref<128x64xf32, #tpu.memory_space<vmem>>) offsets(%dma_start3A_134 : memref<128xi32, #tpu.memory_space<vmem>>) semaphore(%arg11 : memref<!tpu.dma_semaphore, #tpu.memory_space<semaphore_mem>>)
        %mul3A_138 = arith.constant 2 : i32
        %mul3A_139 = arith.muli %add3A_124, %mul3A_138 : i32
        %add3A_140 = arith.constant 1 : i32
        %add3A_141 = arith.addi %mul3A_139, %add3A_140 : i32
        %dma_start3A_142 = arith.constant 128 : i32
        %dma_start3A_143 = arith.constant 0 : i32
        %dma_start3A_144 = tpu.memref_slice %arg7[%dma_start3A_142, %dma_start3A_143] : memref<256x64xf32, #tpu.memory_space<vmem>> -> memref<128x64xf32, #tpu.memory_space<vmem>>
        %dma_start3A_145 = arith.constant 0 : i32
        %dma_start3A_146 = tpu.memref_slice %arg5[%add3A_141, %dma_start3A_145] : memref<200x128xi32, #tpu.memory_space<vmem>> -> memref<1x128xi32, #tpu.memory_space<vmem>>
        %dma_start3A_147 = tpu.memref_squeeze %dma_start3A_146 : memref<1x128xi32, #tpu.memory_space<vmem>> -> memref<128xi32, #tpu.memory_space<vmem>>
        %dma_start3A_148 = arith.constant 0 : i32
        %dma_start3A_149 = arith.constant 0 : i32
        %dma_start3A_150 = tpu.memref_slice %arg3[%dma_start3A_148, %dma_start3A_149] : memref<1000000x64xf32, #tpu.memory_space<hbm>> -> memref<1000000x64xf32, #tpu.memory_space<hbm>>
        tpu.enqueue_indirect_dma source(%dma_start3A_150 : memref<1000000x64xf32, #tpu.memory_space<hbm>>) target(%dma_start3A_144 : memref<128x64xf32, #tpu.memory_space<vmem>>) offsets(%dma_start3A_147 : memref<128xi32, #tpu.memory_space<vmem>>) semaphore(%arg11 : memref<!tpu.dma_semaphore, #tpu.memory_space<semaphore_mem>>)
      } else {
      }
      %mul3A_116 = arith.constant 256 : i32
      %mul3A_117 = arith.muli %add3A_91, %mul3A_116 : i32
      %add3A_118 = arith.addi %mul3A_2, %mul3A_117 : i32
      %dma_start3A_119 = arith.constant 0 : i32
      %dma_start3A_120 = tpu.memref_slice %arg4[%add3A_118, %dma_start3A_119] : memref<819200x128xf32, #tpu.memory_space<hbm>> -> memref<256x64xf32, #tpu.memory_space<hbm>>
      %dma_start3A_121 = arith.constant 0 : i32
      %dma_start3A_122 = tpu.memref_slice %arg4[%add3A_118, %dma_start3A_121] : memref<819200x128xf32, #tpu.memory_space<hbm>> -> memref<256x64xf32, #tpu.memory_space<hbm>>
      tpu.enqueue_dma source(%arg9 : memref<256x64xf32, #tpu.memory_space<vmem>>) target(%dma_start3A_122 : memref<256x64xf32, #tpu.memory_space<hbm>>) target_semaphore(%arg13 : memref<!tpu.dma_semaphore, #tpu.memory_space<semaphore_mem>>)
    }
    %scan3A_48 = arith.constant 50 : i32
    %dma_wait3A = arith.constant 0 : i32
    %dma_wait3A_49 = tpu.memref_slice %arg4[%mul3A_2, %dma_wait3A] : memref<819200x128xf32, #tpu.memory_space<hbm>> -> memref<256x64xf32, #tpu.memory_space<hbm>>
    %dma_wait3A_50 = arith.constant 0 : i32
    %dma_wait3A_51 = tpu.memref_slice %arg4[%mul3A_2, %dma_wait3A_50] : memref<819200x128xf32, #tpu.memory_space<hbm>> -> memref<256x64xf32, #tpu.memory_space<hbm>>
    tpu.wait_dma2 semaphore(%arg12 : memref<!tpu.dma_semaphore, #tpu.memory_space<semaphore_mem>>) src(%arg8 : memref<256x64xf32, #tpu.memory_space<vmem>>) dst(%dma_wait3A_51 : memref<256x64xf32, #tpu.memory_space<hbm>>)
    %dma_wait3A_52 = arith.constant 0 : i32
    %dma_wait3A_53 = tpu.memref_slice %arg4[%mul3A_2, %dma_wait3A_52] : memref<819200x128xf32, #tpu.memory_space<hbm>> -> memref<256x64xf32, #tpu.memory_space<hbm>>
    %dma_wait3A_54 = arith.constant 0 : i32
    %dma_wait3A_55 = tpu.memref_slice %arg4[%mul3A_2, %dma_wait3A_54] : memref<819200x128xf32, #tpu.memory_space<hbm>> -> memref<256x64xf32, #tpu.memory_space<hbm>>
    tpu.wait_dma2 semaphore(%arg13 : memref<!tpu.dma_semaphore, #tpu.memory_space<semaphore_mem>>) src(%arg9 : memref<256x64xf32, #tpu.memory_space<vmem>>) dst(%dma_wait3A_55 : memref<256x64xf32, #tpu.memory_space<hbm>>)
    return
  }
}

</mosaic_0001>

<sc_bundles>
// kernel: kernel.3.cloned.1.call-start
scs
__scs_entry_jumppad:
0x0: {  	(pc) =	sbr.rel $0x88, $3  }
0x1: {  	(tag) =	ssettag $0x0;
	lr =	simm.s32 $0x1  }
0x2: {  	[smem:$0x3F9F] =	sst lr;
	_ =	strace $0xD0000000  }
0x3: {  	_ = 	snop  }
0x4: {  	_ = 	snop  }
0x5: {  	_ = 	snop  }
0x6: {  	_ = 	snop  }
0x7: {  	_ = 	snop  }
__scs_overlays_trampoline_lowered:
0x8: {  	[smem:$0x3FAE] =	sst s0  }
0x9: {  	[smem:$0x3FAF] =	sst s1  }
0xa: {  	[smem:$0x3FB0] =	sst s2  }
0xb: {  	[smem:$0x3FB1] =	sst s3  }
0xc: {  	[smem:$0x3FB2] =	sst s4  }
0xd: {  	[smem:$0x3FB3] =	sst s5  }
0xe: {  	[smem:$0x3FB4] =	sst s6  }
0xf: {  	[smem:$0x3FB5] =	sst s7  }
0x10: {  	[smem:$0x3FB6] =	sst s8  }
0x11: {  	[smem:$0x3FB7] =	sst s9;
	s0 =	simm.s32 @!p0 $0x0  }
0x12: {  	s1 =	sld [smem:$0x3F9D];
	s0 =	simm.s32 @p0 $0x1  }
0x13: {  	[smem:$0x3FB8] =	sst s0;
	s0 =	simm.s32 @!p1 $0x0  }
0x14: {  	s2 =	sld [smem:$0x3F9C];
	s0 =	simm.s32 @p1 $0x1  }
0x15: {  	[smem:$0x3FB9] =	sst s0;
	s0 =	simm.s32 @!p2 $0x0  }
0x16: {  	s3 =	sld [smem:$0x3FDB];
	s0 =	simm.s32 @p2 $0x1  }
0x17: {  	s4 =	simm.s32 $0x1BF5;
	[smem:$0x3FBB] =	sst s0  }
0x18: {  	s0 =	sld [smem:$0x3F9E];
	_ =	swait.ge [sflag:s4], $0x0  }
0x19: {  	s7 =	sld [smem:$0x3F9F]  }
0x1a: {  	s8 =	sadd.s32 $0xFFFFE003, lr  }
0x1b: {  	s9 =	sadd.s32 $0xFFFFFEF7, lr;
	s5 =	simm.s32 $0xFFFFFFFF;
	p2 =	slt.u32 s8, $0xFFFFF086  }
0x1c: {  	p1 =	slt.u32 s9, $0xF7A;
	s5 =	simm.s32 @!p2 $0x0  }
0x1d: {  	s5 =	simm.s32 @p1 $0x1;
	p0 =	seq.s32 s7, s2  }
0x1e: {  	s7 =	smul.u32 @!p0 $0xF7A, s2;
	p2 =	seq.s32 @!p0 s5, $0x0  }
0x1f: {  	s9 =	smul.u32 $0xF7A, s1;
	s8 =	simm.s32 @!p0 $0x1BF5;
	p2 =	por !p2, p0  }
0x20: {  	[sflag:s8] =	ssyncset.s32 @!p0 $0xFFFFF086;
	s6 =	sadd.s32 @!p0 s3, s7;
	s7 =	simm.s32 @!p0 $0x108  }
0x21: {  	s3 =	sadd.s32 s3, s9;
	s6 =	sadd.s32 @!p0 $0x88, s6;
	s7 =	simm.s32 @p2 $0x1082  }
0x22: {  	[simem:s7], [sflag:s8] =	dma.local @!p0 [hbm:s6], $0xF7A  }
0x23: {  	s9 =	sor.u32 $0xD0000000, s2;
	s6 =	simm.s32 $0x108;
	_ =	swait.ge @!p0 [sflag:s8], $0x0  }
0x24: {  	s3 =	sadd.s32 $0x88, s3;
	s6 =	simm.s32 @!p1 $0x1082;
	[sflag:s4] =	ssyncset.s32 $0xFFFFF086  }
0x25: {  	[simem:s6], [sflag:s4] =	dma.local [hbm:s3], $0xF7A  }
0x26: {  	[smem:$0x3F9F] =	sst s1;
	(tag) =	ssettag s2;
	_ =	strace s9  }
0x27: {  	s1 =	sld [smem:$0x3FAF]  }
0x28: {  	s2 =	sld [smem:$0x3FB0]  }
0x29: {  	s4 =	sld [smem:$0x3FB2]  }
0x2a: {  	p0 =	seq.s32 s5, $0x0;
	s5 =	sld [smem:$0x3FB3]  }
0x2b: {  	s6 =	sld [smem:$0x3FB4]  }
0x2c: {  	s7 =	sld [smem:$0x3FB5]  }
0x2d: {  	s3 =	simm.s32 $0x108;
	s8 =	sld [smem:$0x3FB6]  }
0x2e: {  	s3 =	simm.s32 @!p0 $0x1082;
	s9 =	sld [smem:$0x3FB7]  }
0x2f: {  	lr =	sadd.s32 s0, s3;
	s0 =	sld [smem:$0x3FAE]  }
0x30: {  	s3 =	sld [smem:$0x3FB1]  }
0x31: {  	[smem:$0x3FBA] =	sst s10  }
0x32: {  	s10 =	sld [smem:$0x3FB8];
	_ =	sdelay $0x3  }
0x33: {  	p0 =	seq.s32 s10, $0x1;
	s10 =	sld [smem:$0x3FBA];
	_ =	sdelay $0x3  }
0x34: {  	[smem:$0x3FBA] =	sst s10  }
0x35: {  	s10 =	sld [smem:$0x3FB9];
	_ =	sdelay $0x3  }
0x36: {  	p1 =	seq.s32 s10, $0x1;
	s10 =	sld [smem:$0x3FBA];
	_ =	sdelay $0x3  }
0x37: {  	[smem:$0x3FBA] =	sst s10  }
0x38: {  	s10 =	sld [smem:$0x3FBB]  }
0x39: {  	_ = 	snop;
	(pc) =	sbr.ind lr, $3  }
0x3a: {  	_ = 	snop  }
0x3b: {  	_ = 	snop  }
0x3c: {  	p2 =	seq.s32 s10, $0x1;
	s10 =	sld [smem:$0x3FBA]  }
0x3d: {  	_ =	shalt  }
0x3e: {  	_ =	shalt  }
0x3f: {  	_ =	shalt  }
0x40: {  	_ =	shalt  }
0x41: {  	_ =	shalt  }
0x42: {  	_ =	shalt  }
0x43: {  	_ =	shalt  }
0x44: {  	_ =	shalt  }
0x45: {  	_ =	shalt  }
0x46: {  	_ =	shalt  }
0x47: {  	_ =	shalt  }
0x48: {  	_ =	shalt  }
0x49: {  	_ =	shalt  }
0x4a: {  	_ =	shalt  }
0x4b: {  	_ =	shalt  }
0x4c: {  	_ =	shalt  }
0x4d: {  	_ =	shalt  }
0x4e: {  	_ =	shalt  }
0x4f: {  	_ =	shalt  }
0x50: {  	_ =	shalt  }
0x51: {  	_ =	shalt  }
0x52: {  	_ =	shalt  }
0x53: {  	_ =	shalt  }
0x54: {  	_ =	shalt  }
0x55: {  	_ =	shalt  }
0x56: {  	_ =	shalt  }
0x57: {  	_ =	shalt  }
0x58: {  	_ =	shalt  }
0x59: {  	_ =	shalt  }
0x5a: {  	_ =	shalt  }
0x5b: {  	_ =	shalt  }
0x5c: {  	_ =	shalt  }
0x5d: {  	_ =	shalt  }
0x5e: {  	_ =	shalt  }
0x5f: {  	_ =	shalt  }
0x60: {  	_ =	shalt  }
0x61: {  	_ =	shalt  }
0x62: {  	_ =	shalt  }
0x63: {  	_ =	shalt  }
0x64: {  	_ =	shalt  }
0x65: {  	_ =	shalt  }
0x66: {  	_ =	shalt  }
0x67: {  	_ =	shalt  }
0x68: {  	_ =	shalt  }
0x69: {  	_ =	shalt  }
0x6a: {  	_ =	shalt  }
0x6b: {  	_ =	shalt  }
0x6c: {  	_ =	shalt  }
0x6d: {  	_ =	shalt  }
0x6e: {  	_ =	shalt  }
0x6f: {  	_ =	shalt  }
0x70: {  	_ =	shalt  }
0x71: {  	_ =	shalt  }
0x72: {  	_ =	shalt  }
0x73: {  	_ =	shalt  }
0x74: {  	_ =	shalt  }
0x75: {  	_ =	shalt  }
0x76: {  	_ =	shalt  }
0x77: {  	_ =	shalt  }
0x78: {  	_ =	shalt  }
0x79: {  	_ =	shalt  }
0x7a: {  	_ =	shalt  }
0x7b: {  	_ =	shalt  }
0x7c: {  	_ =	shalt  }
0x7d: {  	_ =	shalt  }
0x7e: {  	_ =	shalt  }
0x7f: {  	_ =	shalt  }
0x80: {  	_ =	shalt  }
0x81: {  	_ =	shalt  }
0x82: {  	_ =	shalt  }
0x83: {  	_ =	shalt  }
0x84: {  	_ =	shalt  }
0x85: {  	_ =	shalt  }
0x86: {  	_ =	shalt  }
0x87: {  	_ =	shalt  }
.Lfunc_end0:
.L_simem_size_0:
called_computation.1_lowered:
.L_overlay_start_0:
0x88: {  	s2 =	sld [smem:$0x3FD9]  }
0x89: {  	s3 =	sld [smem:$0x3FFE];
	_ =	sdelay $0x1  }
0x8a: {  	s1 =	srdreg.scid  }
0x8b: {  	s0 =	sand.u32 $0x1, s1  }
0x8c: {  	s17 =	sshll.u32 s0, $0xA;
	s2 =	sadd.s32 s3, s2  }
0x8d: {  	s2 =	sadd.s32 s2, s17  }
0x8e: {  	[smem:$0x3FC6] =	sst s2  }
0x8f: {  	_ = 	snop  }
0x90: {  	s2 =	sld [smem:$0x3FD0];
	(tm) =	ssettm $0x1  }
0x91: {  	s18 =	sld [smem:$0x3FFB];
	_ =	sdelay $0x3  }
0x92: {  	_ =	strace s18  }
0x93: {  	s3 =	sld [smem:$0x3FFC];
	_ =	sdelay $0x3  }
0x94: {  	_ =	strace s3  }
0x95: {  	s3 =	sld [smem:$0x3FFD];
	_ =	sdelay $0x3  }
0x96: {  	_ =	strace s3  }
0x97: {  	_ =	strace $0x8FFFFFFF  }
0x98: {  	s19 =	sld [smem:$0x3FDB];
	_ =	sdelay $0x1  }
0x99: {  	s4 =	simm.s32 $_scs_section_size  }
0x9a: {  	s5 =	simm.s32 $_size__tile_overlayer_lowered;
	s6 =	simm.s32 $_tile_overlayer_lowered  }
0x9b: {  	s22 =	simm.s32 $0x1BFF;
	s21 =	sshll.u32 s6, $0x1;
	s3 =	sadd.s32 s4, s19  }
0x9c: {  	s7 =	simm.s32 $0x0;
	s20 =	sshll.u32 s5, $0x1;
	s5 =	sadd.s32 s21, s3  }
0x9d: {  	[timem:s7], [sflag:s22] =	dma.local [hbm:s5], s20  }
0x9e: {  	_ =	swait.ge [sflag:s22], s20  }
0x9f: {  	s4 =	ssub.s32 $0x0, s20;
	[sflag:s22] =	ssyncset.done $0x0  }
0xa0: {  	[sflag:s22] =	ssyncadd.s32 s4;
	_ =	sdelay $0x1  }
0xa1: {  	s23 =	simm.s32 $0x1B8B  }
0xa2: {  	_ =	swait.ge [sflag:s23], $0x1  }
0xa3: {  	[sflag:s23] =	ssyncset.done $0x0  }
0xa4: {  	s25 =	simm.s32 $0x1B8E;
	s24 =	sld [smem:$0x3FFE];
	[sflag:s23] =	ssyncadd.s32 $0xFFFFFFFF  }
0xa5: {  	s26 =	simm.s32 $execute0_lowered;
	[smem:$0x3FD2] =	sst s25  }
0xa6: {  	s5 =	sshll.u32 s26, $0x1;
	_ =	strace $0x80000046;
	[dreg:$0x1] =	wrdreg $0xFFFFFFFF  }
0xa7: {  	s28 =	simm.s32 $_size_execute0_lowered;
	s3 =	sadd.s32 s3, s5;
	[dreg:$0x0] =	wrdreg $0x0  }
0xa8: {  	s5 =	sshll.u32 s28, $0x1;
	[dreg:$0x2] =	wrdreg s3  }
0xa9: {  	[dreg:$0x3] =	wrdreg s5  }
0xaa: {  	[dreg:$0x4] =	wrdreg $0xC0  }
0xab: {  	_ =	task [dreg:s7], $0x5FFFF  }
0xac: {  	[dreg:$0x1] =	wrdreg $0xFFFFFFFF  }
0xad: {  	[dreg:$0x0] =	wrdreg $0x60  }
0xae: {  	[dreg:$0x2] =	wrdreg s2  }
0xaf: {  	[dreg:$0x3] =	wrdreg s24  }
0xb0: {  	[dreg:$0x4] =	wrdreg $0x9  }
0xb1: {  	_ =	task.clear_ibuf [dreg:s7], $0x5FFFF;
	_ =	strace $0x90000046  }
0xb2: {  	s29 =	simm.s32 $0x9;
	_ =	strace $0x80000048  }
0xb3: {  	_ =	swait.ge [sflag:s29], $0x1  }
0xb4: {  	[sflag:s29] =	ssyncadd.s32 $0xFFFFFFFF  }
0xb5: {  	_ =	strace $0x90000048  }
0xb6: {  	_ =	sfence  }
0xb7: {  	s30 =	sld [smem:$0x0];
	_ =	sdelay $0x2  }
0xb8: {  	s31 =	sshll.u32 s1, $0xD;
	s1 =	sshrl.u32 s1, $0x2  }
0xb9: {  	s3 =	sand.u32 $0x4000, s31;
	s1 =	sadd.s32 s1, s30  }
0xba: {  	s0 =	sor.u32 s3, s0;
	s1 =	sshll.u32 s1, $0x11  }
0xbb: {  	s0 =	sor.u32 s1, s0  }
0xbc: {  	s0 =	sadd.s32 $0x8F2B, s0  }
0xbd: {  	[sflag:s0] =	ssyncadd.remote.s32 $0x1  }
0xbe: {  	_ =	sfence.sel $0xFFFF  }
0xbf: {  	[dreg:$0x0] =	wrdreg $0xFFFFFFFF;
	(pc) =	sbr.abs _section_cstart, $3  }
0xc0: {  	[dreg:$0x1] =	wrdreg $0xFFFFFFFF  }
0xc1: {  	_ =	task.clear_ibuf [dreg:s7], $0x2FFFF;
	_ =	strace $0x9FFFFFFF  }
0xc2: {  	(tm) =	ssettm $0x7FFFFFFF  }
0xc3: {  	_ =	shalt  }
tec
execute0_lowered:
.L_overlay_start_1:
0x0: {  	(tag) =	ssettag $0x1  }
0x1: {  	s5 =	rddreg [dreg:$0x0]  }
0x2: {  	s1 =	srdreg.scid;
	s0 =	stileid.u32  }
0x3: {  	s4 =	rddreg [dreg:$0x1];
	s2 =	simm.s32 $0x0;
	s11 =	simm.s32 $0x6400  }
0x4: {  	s12 =	simm.s32 $0x8400;
	s13 =	simm.s32 $0x100;
	s14 =	simm.s32 $0xA400  }
0x5: {  	s15 =	simm.s32 $0x180;
	s16 =	simm.s32 $0xC400;
	s17 =	simm.s32 $0x1  }
0x6: {  	s18 =	simm.s32 $0x40;
	s19 =	simm.s32 $0xE400;
	s20 =	simm.s32 $0x2  }
0x7: {  	s21 =	simm.s32 $0x12400;
	s22 =	simm.s32 $0x3;
	s23 =	simm.s32 $0x4  }
0x8: {  	s3 =	sand.u32 $0x1, s1;
	s6 =	sshll.u32 s0, $0x1;
	s1 =	rddreg [dreg:$0x2]  }
0x9: {  	s24 =	simm.s32 $0x0;
	[smem:$0x7FF] =	sst s2;
	s6 =	sor.u32 s3, s6  }
0xa: {  	s7 =	ssub.s32 $0x2, s3;
	_ =	strace $0x80000047;
	s8 =	smul.u32 $0xC80, s6  }
0xb: {  	s3 =	sadd.s32 $0xF42E00, s4;
	s9 =	sshrl.u32 s7, $0x1;
	s10 =	smul.u32 $0x64000, s6  }
0xc: {  	s4 =	sadd.s32 $0xA00, s4;
	s6 =	smul.u32 $0x320000, s6;
	s7 =	ssub.s32 s7, s9  }
0xd: {  	s9 =	simm.s32 $0x5;
	s5 =	sadd.s32 s5, s8;
	s31 =	sadd.s32 s10, s4  }
0xe: {  	s7 =	smax.u32 s7, $0x1;
	s10 =	simm.s32 $0x80;
	s8 =	sadd.s32 $0x1000, s31  }
.LBB2_1:
0xf: {  	[tilespmem:s2], [sflag:$0x5] =	stream.linear.gather [hbm4b:s5+s2], $0x6400, $0x38;
	[tilespmem:$0x16400] =	vst v63  }
0x10: {  	_ =	swait.ge [sflag:s9], $0x6400  }
0x11: {  	[sflag:s9] =	ssyncset.done $0x0  }
0x12: {  	[sflag:s9] =	ssyncadd.s32 $0xFFFF9C00  }
0x13: {  	[tilespmem:s11], [sflag:$0x1] =	stream.indirect.gather [hbm4b:s3+s10], $0x40, s2, s10, $0xb8;
	[tilespmem:$0x16400] =	vst v63  }
0x14: {  	_ = 	snop  }
0x15: {  	[tilespmem:s12], [sflag:$0x1] =	stream.indirect.gather [hbm4b:s3+s10], $0x40, s10, s10, $0xb8;
	[tilespmem:$0x16400] =	vst v63  }
0x16: {  	_ = 	snop  }
0x17: {  	[tilespmem:s14], [sflag:$0x2] =	stream.indirect.gather [hbm4b:s3+s10], $0x40, s13, s10, $0xb8;
	[tilespmem:$0x16400] =	vst v63  }
0x18: {  	s25 =	simm.s32 $0x0  }
0x19: {  	[tilespmem:s16], [sflag:$0x2] =	stream.indirect.gather [hbm4b:s3+s10], $0x40, s15, s10, $0xb8;
	[tilespmem:$0x16400] =	vst v63  }
.LBB2_2:
0x1a: {  	_ =	swait.ge [sflag:s17], $0x4000  }
0x1b: {  	p1 =	seq.s32 s25, $0x0;
	[sflag:s17] =	ssyncset.done $0x0  }
0x1c: {  	s26 =	simm.s32 @!p1 $0x3;
	[sflag:s17] =	ssyncadd.s32 $0xFFFFC000  }
0x1d: {  	_ =	swait.ge @!p1 [sflag:s26], $0x4000  }
0x1e: {  	[sflag:s26] =	ssyncset.done @!p1 $0x0  }
0x1f: {  	s28 =	simm.s32 $0x0;
	[sflag:s26] =	ssyncadd.s32 @!p1 $0xFFFFC000  }
0x20: {  	v0 =	vld [tilespmem:s28+$0x65F0]  }
0x21: {  	v1 =	vld [tilespmem:s28+$0x6400];
	_ =	sdelay $0x1  }
0x22: {  	v2 =	vld [tilespmem:s28+$0x6410]  }
0x23: {  	v3 =	vld [tilespmem:s28+$0x6420]  }
0x24: {  	v4 =	vld [tilespmem:s28+$0x6430];
	v0 =	vmul.f32 $8.000000000e+00, v0  }
0x25: {  	v5 =	vld [tilespmem:s28+$0x6440];
	v1 =	vmul.f32 $8.000000000e+00, v1  }
0x26: {  	v6 =	vld [tilespmem:s28+$0x6450];
	[tilespmem:s28+$0xE5F0] =	vst v0  }
0x27: {  	v0 =	vmul.f32 $8.000000000e+00, v2;
	[tilespmem:s28+$0xE400] =	vst v1;
	v1 =	vld [tilespmem:s28+$0x6470]  }
0x28: {  	v7 =	vld [tilespmem:s28+$0x6460];
	v2 =	vmul.f32 $8.000000000e+00, v3  }
0x29: {  	v3 =	vmul.f32 $8.000000000e+00, v4;
	[tilespmem:s28+$0xE410] =	vst v0;
	v0 =	vld [tilespmem:s28+$0x6480]  }
0x2a: {  	v4 =	vmul.f32 $8.000000000e+00, v5;
	[tilespmem:s28+$0xE420] =	vst v2;
	v2 =	vld [tilespmem:s28+$0x6490]  }
0x2b: {  	v5 =	vmul.f32 $8.000000000e+00, v6;
	[tilespmem:s28+$0xE430] =	vst v3;
	v3 =	vld [tilespmem:s28+$0x64A0]  }
0x2c: {  	[tilespmem:s28+$0xE440] =	vst v4;
	v4 =	vld [tilespmem:s28+$0x64B0];
	v1 =	vmul.f32 $8.000000000e+00, v1  }
0x2d: {  	v6 =	vmul.f32 $8.000000000e+00, v7;
	[tilespmem:s28+$0xE450] =	vst v5;
	v5 =	vld [tilespmem:s28+$0x64C0]  }
0x2e: {  	v0 =	vmul.f32 $8.000000000e+00, v0;
	[tilespmem:s28+$0xE470] =	vst v1;
	v1 =	vld [tilespmem:s28+$0x64E0]  }
0x2f: {  	[tilespmem:s28+$0xE460] =	vst v6;
	v6 =	vld [tilespmem:s28+$0x64D0];
	v2 =	vmul.f32 $8.000000000e+00, v2  }
0x30: {  	v3 =	vmul.f32 $8.000000000e+00, v3;
	[tilespmem:s28+$0xE480] =	vst v0;
	v0 =	vld [tilespmem:s28+$0x64F0]  }
0x31: {  	v4 =	vmul.f32 $8.000000000e+00, v4;
	[tilespmem:s28+$0xE490] =	vst v2;
	v2 =	vld [tilespmem:s28+$0x6500]  }
0x32: {  	v5 =	vmul.f32 $8.000000000e+00, v5;
	[tilespmem:s28+$0xE4A0] =	vst v3;
	v3 =	vld [tilespmem:s28+$0x6510]  }
0x33: {  	[tilespmem:s28+$0xE4B0] =	vst v4;
	v4 =	vld [tilespmem:s28+$0x6520];
	v1 =	vmul.f32 $8.000000000e+00, v1  }
0x34: {  	v6 =	vmul.f32 $8.000000000e+00, v6;
	[tilespmem:s28+$0xE4C0] =	vst v5;
	v5 =	vld [tilespmem:s28+$0x6530]  }
0x35: {  	v0 =	vmul.f32 $8.000000000e+00, v0;
	[tilespmem:s28+$0xE4E0] =	vst v1;
	v1 =	vld [tilespmem:s28+$0x6550]  }
0x36: {  	[tilespmem:s28+$0xE4D0] =	vst v6;
	v6 =	vld [tilespmem:s28+$0x6540];
	v2 =	vmul.f32 $8.000000000e+00, v2  }
0x37: {  	[tilespmem:s28+$0xE4F0] =	vst v0;
	v0 =	vmul.f32 $8.000000000e+00, v3;
	v3 =	vld [tilespmem:s28+$0x6570]  }
0x38: {  	v7 =	vld [tilespmem:s28+$0x6560];
	[tilespmem:s28+$0xE500] =	vst v2;
	v2 =	vmul.f32 $8.000000000e+00, v4  }
0x39: {  	v4 =	vld [tilespmem:s28+$0x6580];
	[tilespmem:s28+$0xE510] =	vst v0;
	v0 =	vmul.f32 $8.000000000e+00, v5  }
0x3a: {  	v8 =	vld [tilespmem:s28+$0x6590];
	[tilespmem:s28+$0xE520] =	vst v2;
	v5 =	vmul.f32 $8.000000000e+00, v1  }
0x3b: {  	v2 =	vmul.f32 $8.000000000e+00, v6;
	[tilespmem:s28+$0xE530] =	vst v0;
	v0 =	vld [tilespmem:s28+$0x65A0]  }
0x3c: {  	v1 =	vld [tilespmem:s28+$0x65B0];
	[tilespmem:s28+$0xE550] =	vst v5;
	v5 =	vmul.f32 $8.000000000e+00, v3  }
0x3d: {  	v6 =	vmul.f32 $8.000000000e+00, v7;
	[tilespmem:s28+$0xE540] =	vst v2;
	v2 =	vld [tilespmem:s28+$0x65C0]  }
0x3e: {  	v3 =	vld [tilespmem:s28+$0x65D0];
	[tilespmem:s28+$0xE570] =	vst v5;
	v5 =	vmul.f32 $8.000000000e+00, v4  }
0x3f: {  	s29 =	simm.s32 $0x200;
	s30 =	simm.s32 $0x1000;
	s26 =	sshll.u32 s25, $0xB;
	[tilespmem:s28+$0xE560] =	vst v6;
	v6 =	vmul.f32 $8.000000000e+00, v8;
	v4 =	vld [tilespmem:s28+$0x65E0]  }
.LBB2_3:
0x40: {  	p0 =	sne.s32 s30, $0xF800;
	v7 =	vld [tilespmem:s29+$0x65F0];
	[tilespmem:s28+$0xE580] =	vst v5;
	v0 =	vmul.f32 $8.000000000e+00, v0  }
0x41: {  	v5 =	vld [tilespmem:s29+$0x6400];
	[tilespmem:s28+$0xE590] =	vst v6;
	v1 =	vmul.f32 $8.000000000e+00, v1  }
0x42: {  	v6 =	vld [tilespmem:s29+$0x6410];
	[tilespmem:s28+$0xE5A0] =	vst v0;
	v0 =	vmul.f32 $8.000000000e+00, v2  }
0x43: {  	v2 =	vld [tilespmem:s29+$0x6420];
	[tilespmem:s28+$0xE5B0] =	vst v1;
	v1 =	vmul.f32 $8.000000000e+00, v3  }
0x44: {  	v3 =	vld [tilespmem:s29+$0x6430];
	[tilespmem:s28+$0xE5C0] =	vst v0;
	v0 =	vmul.f32 $8.000000000e+00, v4  }
0x45: {  	v4 =	vld [tilespmem:s29+$0x6440];
	v7 =	vmul.f32 $8.000000000e+00, v7;
	[tilespmem:s28+$0xE5D0] =	vst v1  }
0x46: {  	v1 =	vmul.f32 $8.000000000e+00, v5;
	v5 =	vld [tilespmem:s29+$0x6450];
	[tilespmem:s28+$0xE5E0] =	vst v0;
	s28 =	smov.u32 s29  }
0x47: {  	v0 =	vmul.f32 $8.000000000e+00, v6;
	v6 =	vld [tilespmem:s28+$0x6460];
	[tilespmem:s28+$0xE5F0] =	vst v7  }
0x48: {  	[tilespmem:s28+$0xE400] =	vst v1;
	v1 =	vmul.f32 $8.000000000e+00, v2;
	v2 =	vld [tilespmem:s28+$0x6470]  }
0x49: {  	[tilespmem:s28+$0xE410] =	vst v0;
	v0 =	vmul.f32 $8.000000000e+00, v3;
	v3 =	vld [tilespmem:s28+$0x6480]  }
0x4a: {  	[tilespmem:s28+$0xE420] =	vst v1;
	v1 =	vmul.f32 $8.000000000e+00, v4;
	v4 =	vld [tilespmem:s28+$0x6490]  }
0x4b: {  	[tilespmem:s28+$0xE430] =	vst v0;
	v0 =	vmul.f32 $8.000000000e+00, v5;
	v5 =	vld [tilespmem:s28+$0x64A0]  }
0x4c: {  	[tilespmem:s28+$0xE440] =	vst v1;
	v1 =	vmul.f32 $8.000000000e+00, v6;
	v6 =	vld [tilespmem:s28+$0x64B0]  }
0x4d: {  	[tilespmem:s28+$0xE450] =	vst v0;
	v0 =	vmul.f32 $8.000000000e+00, v2;
	v2 =	vld [tilespmem:s28+$0x64C0]  }
0x4e: {  	[tilespmem:s28+$0xE460] =	vst v1;
	v1 =	vmul.f32 $8.000000000e+00, v3;
	v3 =	vld [tilespmem:s28+$0x64D0]  }
0x4f: {  	[tilespmem:s28+$0xE470] =	vst v0;
	v0 =	vmul.f32 $8.000000000e+00, v4;
	v4 =	vld [tilespmem:s28+$0x64E0]  }
0x50: {  	[tilespmem:s28+$0xE480] =	vst v1;
	v1 =	vmul.f32 $8.000000000e+00, v5;
	v5 =	vld [tilespmem:s28+$0x64F0]  }
0x51: {  	[tilespmem:s28+$0xE490] =	vst v0;
	v0 =	vmul.f32 $8.000000000e+00, v6;
	v6 =	vld [tilespmem:s28+$0x6500]  }
0x52: {  	[tilespmem:s28+$0xE4A0] =	vst v1;
	v1 =	vmul.f32 $8.000000000e+00, v2;
	v2 =	vld [tilespmem:s28+$0x6510]  }
0x53: {  	[tilespmem:s28+$0xE4B0] =	vst v0;
	v0 =	vmul.f32 $8.000000000e+00, v3;
	v3 =	vld [tilespmem:s28+$0x6520]  }
0x54: {  	[tilespmem:s28+$0xE4C0] =	vst v1;
	v1 =	vmul.f32 $8.000000000e+00, v4;
	v4 =	vld [tilespmem:s28+$0x6530]  }
0x55: {  	[tilespmem:s28+$0xE4D0] =	vst v0;
	v0 =	vmul.f32 $8.000000000e+00, v5;
	v5 =	vld [tilespmem:s28+$0x6540]  }
0x56: {  	[tilespmem:s28+$0xE4E0] =	vst v1;
	v1 =	vmul.f32 $8.000000000e+00, v6;
	v6 =	vld [tilespmem:s28+$0x6550]  }
0x57: {  	[tilespmem:s28+$0xE4F0] =	vst v0;
	v0 =	vmul.f32 $8.000000000e+00, v2;
	v2 =	vld [tilespmem:s28+$0x6560]  }
0x58: {  	[tilespmem:s28+$0xE500] =	vst v1;
	v1 =	vmul.f32 $8.000000000e+00, v3;
	v3 =	vld [tilespmem:s28+$0x6570]  }
0x59: {  	[tilespmem:s28+$0xE510] =	vst v0;
	v0 =	vmul.f32 $8.000000000e+00, v4;
	v4 =	vld [tilespmem:s28+$0x6580]  }
0x5a: {  	[tilespmem:s28+$0xE520] =	vst v1;
	v1 =	vmul.f32 $8.000000000e+00, v5;
	v7 =	vld [tilespmem:s28+$0x6590]  }
.Ltmp0:
0x5b: {  	[tilespmem:s28+$0xE530] =	vst v0;
	v5 =	vmul.f32 $8.000000000e+00, v6;
	v0 =	vld [tilespmem:s28+$0x65A0];
	(pc) =	sbr.rel @p0 .LBB2_3-.Ltmp0, $4  }
0x5c: {  	[tilespmem:s28+$0xE540] =	vst v1;
	v6 =	vmul.f32 $8.000000000e+00, v2;
	v1 =	vld [tilespmem:s28+$0x65B0]  }
0x5d: {  	[tilespmem:s28+$0xE550] =	vst v5;
	v8 =	vmul.f32 $8.000000000e+00, v3;
	v2 =	vld [tilespmem:s28+$0x65C0]  }
0x5e: {  	[tilespmem:s28+$0xE560] =	vst v6;
	v5 =	vmul.f32 $8.000000000e+00, v4;
	v3 =	vld [tilespmem:s28+$0x65D0]  }
0x5f: {  	s29 =	sshra.s32 s30, $0x2;
	s30 =	sadd.s32 $0x800, s30;
	[tilespmem:s28+$0xE570] =	vst v8;
	v6 =	vmul.f32 $8.000000000e+00, v7;
	v4 =	vld [tilespmem:s28+$0x65E0]  }
0x60: {  	v7 =	vld [tilespmem:s29+$0x65F0];
	[tilespmem:s28+$0xE580] =	vst v5;
	v0 =	vmul.f32 $8.000000000e+00, v0  }
0x61: {  	v5 =	vld [tilespmem:s29+$0x6400];
	[tilespmem:s28+$0xE590] =	vst v6;
	v1 =	vmul.f32 $8.000000000e+00, v1  }
0x62: {  	v6 =	vld [tilespmem:s29+$0x6410];
	[tilespmem:s28+$0xE5A0] =	vst v0;
	v2 =	vmul.f32 $8.000000000e+00, v2  }
0x63: {  	v0 =	vld [tilespmem:s29+$0x6420];
	[tilespmem:s28+$0xE5B0] =	vst v1;
	v3 =	vmul.f32 $8.000000000e+00, v3  }
0x64: {  	v1 =	vld [tilespmem:s29+$0x6430];
	[tilespmem:s28+$0xE5C0] =	vst v2;
	v4 =	vmul.f32 $8.000000000e+00, v4  }
0x65: {  	v2 =	vld [tilespmem:s29+$0x6440];
	[tilespmem:s28+$0xE5D0] =	vst v3;
	v7 =	vmul.f32 $8.000000000e+00, v7  }
0x66: {  	v3 =	vld [tilespmem:s29+$0x6450];
	[tilespmem:s28+$0xE5E0] =	vst v4;
	v4 =	vmul.f32 $8.000000000e+00, v5  }
0x67: {  	v5 =	vld [tilespmem:s29+$0x6460];
	[tilespmem:s29+$0xE5F0] =	vst v7;
	v6 =	vmul.f32 $8.000000000e+00, v6  }
0x68: {  	[tilespmem:s29+$0xE400] =	vst v4;
	v4 =	vld [tilespmem:s29+$0x6470];
	v0 =	vmul.f32 $8.000000000e+00, v0  }
0x69: {  	[tilespmem:s29+$0xE410] =	vst v6;
	v6 =	vld [tilespmem:s29+$0x6480];
	v1 =	vmul.f32 $8.000000000e+00, v1  }
0x6a: {  	[tilespmem:s29+$0xE420] =	vst v0;
	v0 =	vld [tilespmem:s29+$0x6490];
	v2 =	vmul.f32 $8.000000000e+00, v2  }
0x6b: {  	[tilespmem:s29+$0xE430] =	vst v1;
	v1 =	vld [tilespmem:s29+$0x64A0];
	v3 =	vmul.f32 $8.000000000e+00, v3  }
0x6c: {  	[tilespmem:s29+$0xE440] =	vst v2;
	v2 =	vld [tilespmem:s29+$0x64B0];
	v5 =	vmul.f32 $8.000000000e+00, v5  }
0x6d: {  	[tilespmem:s29+$0xE450] =	vst v3;
	v3 =	vld [tilespmem:s29+$0x64C0];
	v4 =	vmul.f32 $8.000000000e+00, v4  }
0x6e: {  	[tilespmem:s29+$0xE460] =	vst v5;
	v5 =	vld [tilespmem:s29+$0x64D0];
	v6 =	vmul.f32 $8.000000000e+00, v6  }
0x6f: {  	[tilespmem:s29+$0xE470] =	vst v4;
	v4 =	vld [tilespmem:s29+$0x64E0];
	v0 =	vmul.f32 $8.000000000e+00, v0  }
0x70: {  	[tilespmem:s29+$0xE480] =	vst v6;
	v6 =	vld [tilespmem:s29+$0x64F0];
	v1 =	vmul.f32 $8.000000000e+00, v1  }
0x71: {  	[tilespmem:s29+$0xE490] =	vst v0;
	v0 =	vld [tilespmem:s29+$0x6500];
	v2 =	vmul.f32 $8.000000000e+00, v2  }
0x72: {  	[tilespmem:s29+$0xE4A0] =	vst v1;
	v1 =	vld [tilespmem:s29+$0x6510];
	v3 =	vmul.f32 $8.000000000e+00, v3  }
0x73: {  	[tilespmem:s29+$0xE4B0] =	vst v2;
	v2 =	vld [tilespmem:s29+$0x6520];
	v5 =	vmul.f32 $8.000000000e+00, v5  }
0x74: {  	[tilespmem:s29+$0xE4C0] =	vst v3;
	v3 =	vld [tilespmem:s29+$0x6530];
	v4 =	vmul.f32 $8.000000000e+00, v4  }
0x75: {  	[tilespmem:s29+$0xE4D0] =	vst v5;
	v5 =	vld [tilespmem:s29+$0x6540];
	v6 =	vmul.f32 $8.000000000e+00, v6  }
0x76: {  	[tilespmem:s29+$0xE4E0] =	vst v4;
	v4 =	vld [tilespmem:s29+$0x6550];
	v0 =	vmul.f32 $8.000000000e+00, v0  }
0x77: {  	[tilespmem:s29+$0xE4F0] =	vst v6;
	v6 =	vld [tilespmem:s29+$0x6560];
	v1 =	vmul.f32 $8.000000000e+00, v1  }
0x78: {  	[tilespmem:s29+$0xE500] =	vst v0;
	v0 =	vld [tilespmem:s29+$0x6570];
	v2 =	vmul.f32 $8.000000000e+00, v2  }
0x79: {  	[tilespmem:s29+$0xE510] =	vst v1;
	v1 =	vld [tilespmem:s29+$0x6580];
	v3 =	vmul.f32 $8.000000000e+00, v3  }
0x7a: {  	[tilespmem:s29+$0xE520] =	vst v2;
	v2 =	vld [tilespmem:s29+$0x6590];
	v5 =	vmul.f32 $8.000000000e+00, v5  }
0x7b: {  	[tilespmem:s29+$0xE530] =	vst v3;
	v3 =	vld [tilespmem:s29+$0x65A0];
	v4 =	vmul.f32 $8.000000000e+00, v4  }
0x7c: {  	[tilespmem:s29+$0xE540] =	vst v5;
	v5 =	vld [tilespmem:s29+$0x65B0];
	v6 =	vmul.f32 $8.000000000e+00, v6  }
0x7d: {  	[tilespmem:s29+$0xE550] =	vst v4;
	v4 =	vld [tilespmem:s29+$0x65C0];
	v0 =	vmul.f32 $8.000000000e+00, v0  }
0x7e: {  	[tilespmem:s29+$0xE560] =	vst v6;
	v6 =	vld [tilespmem:s29+$0x65D0];
	v1 =	vmul.f32 $8.000000000e+00, v1  }
0x7f: {  	[tilespmem:s29+$0xE570] =	vst v0;
	v0 =	vmul.f32 $8.000000000e+00, v2;
	v2 =	vld [tilespmem:s29+$0x65E0]  }
0x80: {  	[tilespmem:s29+$0xE580] =	vst v1;
	v1 =	vmul.f32 $8.000000000e+00, v3  }
0x81: {  	[tilespmem:s29+$0xE590] =	vst v0;
	v0 =	vmul.f32 $8.000000000e+00, v5  }
0x82: {  	[tilespmem:s29+$0xE5A0] =	vst v1;
	v1 =	vmul.f32 $8.000000000e+00, v4  }
0x83: {  	[tilespmem:s29+$0xE5B0] =	vst v0;
	v0 =	vmul.f32 $8.000000000e+00, v6  }
0x84: {  	p0 =	seq.s32 s25, $0x31;
	[tilespmem:s29+$0xE5C0] =	vst v1;
	v1 =	vmul.f32 $8.000000000e+00, v2  }
0x85: {  	s26 =	sshrl.u32 @!p0 s26, $0x2;
	[tilespmem:s29+$0xE5D0] =	vst v0  }
0x86: {  	s30 =	simm.s32 @!p0 $0x6400;
	s28 =	sadd.s32 @!p0 $0x200, s26;
	[tilespmem:s29+$0xE5E0] =	vst v1;
	s29 =	simm.s32 @!p0 $0x80  }
0x87: {  	[tilespmem:s30], [sflag:$0x1] =	stream.indirect.gather @!p0 [hbm4b:s3+s29], $0x40, s28, s29, $0xb8;
	[tilespmem:$0x16400] =	vst v63  }
0x88: {  	s28 =	sadd.s32 @!p0 $0x280, s26;
	s30 =	simm.s32 @!p0 $0x8400  }
0x89: {  	[tilespmem:s30], [sflag:$0x1] =	stream.indirect.gather @!p0 [hbm4b:s3+s29], $0x40, s28, s29, $0xb8;
	[tilespmem:$0x16400] =	vst v63  }
0x8a: {  	s28 =	sshll.u32 s25, $0x10  }
0x8b: {  	s28 =	sadd.s32 s6, s28  }
0x8c: {  	s28 =	sshrl.u32 s28, $0x3  }
0x8d: {  	s28 =	sadd.s32 s4, s28  }
0x8e: {  	[hbm4b:s28+s18] =	stream.strided.scatter [tilespmem:s19], [sflag:$0x3], $0x4000, s10, s18, $0x38;
	[tilespmem:$0x16400] =	vst v63  }
0x8f: {  	_ =	swait.ge [sflag:s20], $0x4000  }
0x90: {  	[sflag:s20] =	ssyncset.done $0x0  }
0x91: {  	s28 =	simm.s32 @!p1 $0x4;
	[sflag:s20] =	ssyncadd.s32 $0xFFFFC000  }
0x92: {  	_ =	swait.ge @!p1 [sflag:s28], $0x4000  }
0x93: {  	[sflag:s28] =	ssyncset.done @!p1 $0x0  }
0x94: {  	[sflag:s28] =	ssyncadd.s32 @!p1 $0xFFFFC000;
	s28 =	simm.s32 $0x0  }
0x95: {  	v0 =	vld [tilespmem:s28+$0xA5F0]  }
0x96: {  	v1 =	vld [tilespmem:s28+$0xA400];
	_ =	sdelay $0x1  }
0x97: {  	v2 =	vld [tilespmem:s28+$0xA410]  }
0x98: {  	v3 =	vld [tilespmem:s28+$0xA420]  }
0x99: {  	v4 =	vld [tilespmem:s28+$0xA430];
	v0 =	vmul.f32 $8.000000000e+00, v0  }
0x9a: {  	v5 =	vld [tilespmem:s28+$0xA440];
	v1 =	vmul.f32 $8.000000000e+00, v1  }
0x9b: {  	v6 =	vld [tilespmem:s28+$0xA450];
	[tilespmem:s28+$0x125F0] =	vst v0  }
0x9c: {  	v0 =	vmul.f32 $8.000000000e+00, v2;
	[tilespmem:s28+$0x12400] =	vst v1;
	v1 =	vld [tilespmem:s28+$0xA470]  }
0x9d: {  	v7 =	vld [tilespmem:s28+$0xA460];
	v2 =	vmul.f32 $8.000000000e+00, v3  }
0x9e: {  	v3 =	vmul.f32 $8.000000000e+00, v4;
	[tilespmem:s28+$0x12410] =	vst v0;
	v0 =	vld [tilespmem:s28+$0xA480]  }
0x9f: {  	v4 =	vmul.f32 $8.000000000e+00, v5;
	[tilespmem:s28+$0x12420] =	vst v2;
	v2 =	vld [tilespmem:s28+$0xA490]  }
0xa0: {  	v5 =	vmul.f32 $8.000000000e+00, v6;
	[tilespmem:s28+$0x12430] =	vst v3;
	v3 =	vld [tilespmem:s28+$0xA4A0]  }
0xa1: {  	[tilespmem:s28+$0x12440] =	vst v4;
	v4 =	vld [tilespmem:s28+$0xA4B0];
	v1 =	vmul.f32 $8.000000000e+00, v1  }
0xa2: {  	v6 =	vmul.f32 $8.000000000e+00, v7;
	[tilespmem:s28+$0x12450] =	vst v5;
	v5 =	vld [tilespmem:s28+$0xA4C0]  }
0xa3: {  	v0 =	vmul.f32 $8.000000000e+00, v0;
	[tilespmem:s28+$0x12470] =	vst v1;
	v1 =	vld [tilespmem:s28+$0xA4E0]  }
0xa4: {  	[tilespmem:s28+$0x12460] =	vst v6;
	v6 =	vld [tilespmem:s28+$0xA4D0];
	v2 =	vmul.f32 $8.000000000e+00, v2  }
0xa5: {  	v3 =	vmul.f32 $8.000000000e+00, v3;
	[tilespmem:s28+$0x12480] =	vst v0;
	v0 =	vld [tilespmem:s28+$0xA4F0]  }
0xa6: {  	v4 =	vmul.f32 $8.000000000e+00, v4;
	[tilespmem:s28+$0x12490] =	vst v2;
	v2 =	vld [tilespmem:s28+$0xA500]  }
0xa7: {  	v5 =	vmul.f32 $8.000000000e+00, v5;
	[tilespmem:s28+$0x124A0] =	vst v3;
	v3 =	vld [tilespmem:s28+$0xA510]  }
0xa8: {  	[tilespmem:s28+$0x124B0] =	vst v4;
	v4 =	vld [tilespmem:s28+$0xA520];
	v1 =	vmul.f32 $8.000000000e+00, v1  }
0xa9: {  	v6 =	vmul.f32 $8.000000000e+00, v6;
	[tilespmem:s28+$0x124C0] =	vst v5;
	v5 =	vld [tilespmem:s28+$0xA530]  }
0xaa: {  	v0 =	vmul.f32 $8.000000000e+00, v0;
	[tilespmem:s28+$0x124E0] =	vst v1;
	v1 =	vld [tilespmem:s28+$0xA550]  }
0xab: {  	[tilespmem:s28+$0x124D0] =	vst v6;
	v6 =	vld [tilespmem:s28+$0xA540];
	v2 =	vmul.f32 $8.000000000e+00, v2  }
0xac: {  	[tilespmem:s28+$0x124F0] =	vst v0;
	v0 =	vmul.f32 $8.000000000e+00, v3;
	v3 =	vld [tilespmem:s28+$0xA570]  }
0xad: {  	v7 =	vld [tilespmem:s28+$0xA560];
	[tilespmem:s28+$0x12500] =	vst v2;
	v2 =	vmul.f32 $8.000000000e+00, v4  }
0xae: {  	v4 =	vld [tilespmem:s28+$0xA580];
	[tilespmem:s28+$0x12510] =	vst v0;
	v0 =	vmul.f32 $8.000000000e+00, v5  }
0xaf: {  	v8 =	vld [tilespmem:s28+$0xA590];
	[tilespmem:s28+$0x12520] =	vst v2;
	v5 =	vmul.f32 $8.000000000e+00, v1  }
0xb0: {  	v2 =	vmul.f32 $8.000000000e+00, v6;
	[tilespmem:s28+$0x12530] =	vst v0;
	v0 =	vld [tilespmem:s28+$0xA5A0]  }
0xb1: {  	v1 =	vld [tilespmem:s28+$0xA5B0];
	[tilespmem:s28+$0x12550] =	vst v5;
	v5 =	vmul.f32 $8.000000000e+00, v3  }
0xb2: {  	v6 =	vmul.f32 $8.000000000e+00, v7;
	[tilespmem:s28+$0x12540] =	vst v2;
	v2 =	vld [tilespmem:s28+$0xA5C0]  }
0xb3: {  	v3 =	vld [tilespmem:s28+$0xA5D0];
	[tilespmem:s28+$0x12570] =	vst v5;
	v5 =	vmul.f32 $8.000000000e+00, v4  }
0xb4: {  	s29 =	simm.s32 $0x200;
	s30 =	simm.s32 $0x1000;
	[tilespmem:s28+$0x12560] =	vst v6;
	v6 =	vmul.f32 $8.000000000e+00, v8;
	v4 =	vld [tilespmem:s28+$0xA5E0]  }
.LBB2_5:
0xb5: {  	p1 =	sne.s32 s30, $0xF800;
	v7 =	vld [tilespmem:s29+$0xA5F0];
	[tilespmem:s28+$0x12580] =	vst v5;
	v0 =	vmul.f32 $8.000000000e+00, v0  }
0xb6: {  	v5 =	vld [tilespmem:s29+$0xA400];
	[tilespmem:s28+$0x12590] =	vst v6;
	v1 =	vmul.f32 $8.000000000e+00, v1  }
0xb7: {  	v6 =	vld [tilespmem:s29+$0xA410];
	[tilespmem:s28+$0x125A0] =	vst v0;
	v0 =	vmul.f32 $8.000000000e+00, v2  }
0xb8: {  	v2 =	vld [tilespmem:s29+$0xA420];
	[tilespmem:s28+$0x125B0] =	vst v1;
	v1 =	vmul.f32 $8.000000000e+00, v3  }
0xb9: {  	v3 =	vld [tilespmem:s29+$0xA430];
	[tilespmem:s28+$0x125C0] =	vst v0;
	v0 =	vmul.f32 $8.000000000e+00, v4  }
0xba: {  	v4 =	vld [tilespmem:s29+$0xA440];
	v7 =	vmul.f32 $8.000000000e+00, v7;
	[tilespmem:s28+$0x125D0] =	vst v1  }
0xbb: {  	v1 =	vmul.f32 $8.000000000e+00, v5;
	v5 =	vld [tilespmem:s29+$0xA450];
	[tilespmem:s28+$0x125E0] =	vst v0;
	s28 =	smov.u32 s29  }
0xbc: {  	v0 =	vmul.f32 $8.000000000e+00, v6;
	v6 =	vld [tilespmem:s28+$0xA460];
	[tilespmem:s28+$0x125F0] =	vst v7  }
0xbd: {  	[tilespmem:s28+$0x12400] =	vst v1;
	v1 =	vmul.f32 $8.000000000e+00, v2;
	v2 =	vld [tilespmem:s28+$0xA470]  }
0xbe: {  	[tilespmem:s28+$0x12410] =	vst v0;
	v0 =	vmul.f32 $8.000000000e+00, v3;
	v3 =	vld [tilespmem:s28+$0xA480]  }
0xbf: {  	[tilespmem:s28+$0x12420] =	vst v1;
	v1 =	vmul.f32 $8.000000000e+00, v4;
	v4 =	vld [tilespmem:s28+$0xA490]  }
0xc0: {  	[tilespmem:s28+$0x12430] =	vst v0;
	v0 =	vmul.f32 $8.000000000e+00, v5;
	v5 =	vld [tilespmem:s28+$0xA4A0]  }
0xc1: {  	[tilespmem:s28+$0x12440] =	vst v1;
	v1 =	vmul.f32 $8.000000000e+00, v6;
	v6 =	vld [tilespmem:s28+$0xA4B0]  }
0xc2: {  	[tilespmem:s28+$0x12450] =	vst v0;
	v0 =	vmul.f32 $8.000000000e+00, v2;
	v2 =	vld [tilespmem:s28+$0xA4C0]  }
0xc3: {  	[tilespmem:s28+$0x12460] =	vst v1;
	v1 =	vmul.f32 $8.000000000e+00, v3;
	v3 =	vld [tilespmem:s28+$0xA4D0]  }
0xc4: {  	[tilespmem:s28+$0x12470] =	vst v0;
	v0 =	vmul.f32 $8.000000000e+00, v4;
	v4 =	vld [tilespmem:s28+$0xA4E0]  }
0xc5: {  	[tilespmem:s28+$0x12480] =	vst v1;
	v1 =	vmul.f32 $8.000000000e+00, v5;
	v5 =	vld [tilespmem:s28+$0xA4F0]  }
0xc6: {  	[tilespmem:s28+$0x12490] =	vst v0;
	v0 =	vmul.f32 $8.000000000e+00, v6;
	v6 =	vld [tilespmem:s28+$0xA500]  }
0xc7: {  	[tilespmem:s28+$0x124A0] =	vst v1;
	v1 =	vmul.f32 $8.000000000e+00, v2;
	v2 =	vld [tilespmem:s28+$0xA510]  }
0xc8: {  	[tilespmem:s28+$0x124B0] =	vst v0;
	v0 =	vmul.f32 $8.000000000e+00, v3;
	v3 =	vld [tilespmem:s28+$0xA520]  }
0xc9: {  	[tilespmem:s28+$0x124C0] =	vst v1;
	v1 =	vmul.f32 $8.000000000e+00, v4;
	v4 =	vld [tilespmem:s28+$0xA530]  }
0xca: {  	[tilespmem:s28+$0x124D0] =	vst v0;
	v0 =	vmul.f32 $8.000000000e+00, v5;
	v5 =	vld [tilespmem:s28+$0xA540]  }
0xcb: {  	[tilespmem:s28+$0x124E0] =	vst v1;
	v1 =	vmul.f32 $8.000000000e+00, v6;
	v6 =	vld [tilespmem:s28+$0xA550]  }
0xcc: {  	[tilespmem:s28+$0x124F0] =	vst v0;
	v0 =	vmul.f32 $8.000000000e+00, v2;
	v2 =	vld [tilespmem:s28+$0xA560]  }
0xcd: {  	[tilespmem:s28+$0x12500] =	vst v1;
	v1 =	vmul.f32 $8.000000000e+00, v3;
	v3 =	vld [tilespmem:s28+$0xA570]  }
0xce: {  	[tilespmem:s28+$0x12510] =	vst v0;
	v0 =	vmul.f32 $8.000000000e+00, v4;
	v4 =	vld [tilespmem:s28+$0xA580]  }
0xcf: {  	[tilespmem:s28+$0x12520] =	vst v1;
	v1 =	vmul.f32 $8.000000000e+00, v5;
	v7 =	vld [tilespmem:s28+$0xA590]  }
.Ltmp1:
0xd0: {  	[tilespmem:s28+$0x12530] =	vst v0;
	v5 =	vmul.f32 $8.000000000e+00, v6;
	v0 =	vld [tilespmem:s28+$0xA5A0];
	(pc) =	sbr.rel @p1 .LBB2_5-.Ltmp1, $4  }
0xd1: {  	[tilespmem:s28+$0x12540] =	vst v1;
	v6 =	vmul.f32 $8.000000000e+00, v2;
	v1 =	vld [tilespmem:s28+$0xA5B0]  }
0xd2: {  	[tilespmem:s28+$0x12550] =	vst v5;
	v8 =	vmul.f32 $8.000000000e+00, v3;
	v2 =	vld [tilespmem:s28+$0xA5C0]  }
0xd3: {  	[tilespmem:s28+$0x12560] =	vst v6;
	v5 =	vmul.f32 $8.000000000e+00, v4;
	v3 =	vld [tilespmem:s28+$0xA5D0]  }
0xd4: {  	s29 =	sshra.s32 s30, $0x2;
	s30 =	sadd.s32 $0x800, s30;
	[tilespmem:s28+$0x12570] =	vst v8;
	v6 =	vmul.f32 $8.000000000e+00, v7;
	v4 =	vld [tilespmem:s28+$0xA5E0]  }
0xd5: {  	v7 =	vld [tilespmem:s29+$0xA5F0];
	[tilespmem:s28+$0x12580] =	vst v5;
	v0 =	vmul.f32 $8.000000000e+00, v0  }
0xd6: {  	v5 =	vld [tilespmem:s29+$0xA400];
	[tilespmem:s28+$0x12590] =	vst v6;
	v1 =	vmul.f32 $8.000000000e+00, v1  }
0xd7: {  	v6 =	vld [tilespmem:s29+$0xA410];
	[tilespmem:s28+$0x125A0] =	vst v0;
	v2 =	vmul.f32 $8.000000000e+00, v2  }
0xd8: {  	v0 =	vld [tilespmem:s29+$0xA420];
	[tilespmem:s28+$0x125B0] =	vst v1;
	v3 =	vmul.f32 $8.000000000e+00, v3  }
0xd9: {  	v1 =	vld [tilespmem:s29+$0xA430];
	[tilespmem:s28+$0x125C0] =	vst v2;
	v4 =	vmul.f32 $8.000000000e+00, v4  }
0xda: {  	v2 =	vld [tilespmem:s29+$0xA440];
	[tilespmem:s28+$0x125D0] =	vst v3;
	v7 =	vmul.f32 $8.000000000e+00, v7  }
0xdb: {  	v3 =	vld [tilespmem:s29+$0xA450];
	[tilespmem:s28+$0x125E0] =	vst v4;
	v32 =	vmul.f32 $8.000000000e+00, v5  }
0xdc: {  	v33 =	vld [tilespmem:s29+$0xA460];
	[tilespmem:s29+$0x125F0] =	vst v7;
	v6 =	vmul.f32 $8.000000000e+00, v6  }
0xdd: {  	v34 =	vld [tilespmem:s29+$0xA470];
	[tilespmem:s29+$0x12400] =	vst v32;
	v0 =	vmul.f32 $8.000000000e+00, v0  }
0xde: {  	v35 =	vld [tilespmem:s29+$0xA480];
	[tilespmem:s29+$0x12410] =	vst v6;
	v1 =	vmul.f32 $8.000000000e+00, v1  }
0xdf: {  	v36 =	vld [tilespmem:s29+$0xA490];
	[tilespmem:s29+$0x12420] =	vst v0;
	v2 =	vmul.f32 $8.000000000e+00, v2  }
0xe0: {  	v37 =	vld [tilespmem:s29+$0xA4A0];
	[tilespmem:s29+$0x12430] =	vst v1;
	v3 =	vmul.f32 $8.000000000e+00, v3  }
0xe1: {  	v38 =	vld [tilespmem:s29+$0xA4B0];
	[tilespmem:s29+$0x12440] =	vst v2;
	v5 =	vmul.f32 $8.000000000e+00, v33  }
0xe2: {  	v52 =	vld [tilespmem:s29+$0xA590];
	v4 =	vmul.f32 $8.000000000e+00, v34;
	[tilespmem:s29+$0x12450] =	vst v3  }
0xe3: {  	v53 =	vld [tilespmem:s29+$0xA5A0];
	v6 =	vmul.f32 $8.000000000e+00, v35;
	[tilespmem:s29+$0x12460] =	vst v5  }
0xe4: {  	v54 =	vld [tilespmem:s29+$0xA5B0];
	v0 =	vmul.f32 $8.000000000e+00, v36;
	[tilespmem:s29+$0x12470] =	vst v4  }
0xe5: {  	v55 =	vld [tilespmem:s29+$0xA5C0];
	v1 =	vmul.f32 $8.000000000e+00, v37;
	[tilespmem:s29+$0x12480] =	vst v6  }
0xe6: {  	v56 =	vld [tilespmem:s29+$0xA5D0];
	v2 =	vmul.f32 $8.000000000e+00, v38;
	[tilespmem:s29+$0x12490] =	vst v0  }
0xe7: {  	v58 =	vld [tilespmem:s29+$0xA5E0];
	v57 =	vmul.f32 $8.000000000e+00, v52;
	[tilespmem:s29+$0x124A0] =	vst v1  }
0xe8: {  	v39 =	vld [tilespmem:s29+$0xA4C0];
	v59 =	vmul.f32 $8.000000000e+00, v53;
	[tilespmem:s29+$0x124B0] =	vst v2  }
0xe9: {  	v40 =	vld [tilespmem:s29+$0xA4D0];
	v60 =	vmul.f32 $8.000000000e+00, v54;
	[tilespmem:s29+$0x12590] =	vst v57  }
0xea: {  	v41 =	vld [tilespmem:s29+$0xA4E0];
	v61 =	vmul.f32 $8.000000000e+00, v55;
	[tilespmem:s29+$0x125A0] =	vst v59  }
0xeb: {  	v42 =	vld [tilespmem:s29+$0xA4F0];
	v62 =	vmul.f32 $8.000000000e+00, v56;
	[tilespmem:s29+$0x125B0] =	vst v60  }
0xec: {  	v43 =	vld [tilespmem:s29+$0xA500];
	v63 =	vmul.f32 $8.000000000e+00, v58;
	[tilespmem:s29+$0x125C0] =	vst v61  }
0xed: {  	v44 =	vld [tilespmem:s29+$0xA510];
	v3 =	vmul.f32 $8.000000000e+00, v39;
	[tilespmem:s29+$0x125D0] =	vst v62  }
0xee: {  	v45 =	vld [tilespmem:s29+$0xA520];
	v5 =	vmul.f32 $8.000000000e+00, v40;
	[tilespmem:s29+$0x125E0] =	vst v63  }
0xef: {  	v46 =	vld [tilespmem:s29+$0xA530];
	v4 =	vmul.f32 $8.000000000e+00, v41;
	[tilespmem:s29+$0x124C0] =	vst v3  }
0xf0: {  	v47 =	vld [tilespmem:s29+$0xA540];
	v6 =	vmul.f32 $8.000000000e+00, v42;
	[tilespmem:s29+$0x124D0] =	vst v5  }
0xf1: {  	v48 =	vld [tilespmem:s29+$0xA550];
	v0 =	vmul.f32 $8.000000000e+00, v43;
	[tilespmem:s29+$0x124E0] =	vst v4  }
0xf2: {  	v49 =	vld [tilespmem:s29+$0xA560];
	v1 =	vmul.f32 $8.000000000e+00, v44;
	[tilespmem:s29+$0x124F0] =	vst v6  }
0xf3: {  	v50 =	vld [tilespmem:s29+$0xA570];
	v2 =	vmul.f32 $8.000000000e+00, v45;
	[tilespmem:s29+$0x12500] =	vst v0  }
0xf4: {  	v51 =	vld [tilespmem:s29+$0xA580];
	v3 =	vmul.f32 $8.000000000e+00, v46;
	[tilespmem:s29+$0x12510] =	vst v1  }
0xf5: {  	[tilespmem:s29+$0x12520] =	vst v2;
	v5 =	vmul.f32 $8.000000000e+00, v47  }
0xf6: {  	v4 =	vmul.f32 $8.000000000e+00, v48;
	[tilespmem:s29+$0x12530] =	vst v3  }
0xf7: {  	v6 =	vmul.f32 $8.000000000e+00, v49;
	[tilespmem:s29+$0x12540] =	vst v5  }
0xf8: {  	v0 =	vmul.f32 $8.000000000e+00, v50;
	[tilespmem:s29+$0x12550] =	vst v4  }
0xf9: {  	v1 =	vmul.f32 $8.000000000e+00, v51;
	[tilespmem:s29+$0x12560] =	vst v6  }
0xfa: {  	s30 =	simm.s32 @!p0 $0xA400;
	[tilespmem:s29+$0x12570] =	vst v0  }
0xfb: {  	s31 =	sshll.u32 s25, $0xD;
	s28 =	sadd.s32 @!p0 $0x300, s26;
	[tilespmem:s29+$0x12580] =	vst v1;
	s29 =	simm.s32 @!p0 $0x80  }
0xfc: {  	[tilespmem:s30], [sflag:$0x2] =	stream.indirect.gather @!p0 [hbm4b:s3+s29], $0x40, s28, s29, $0xb8;
	[tilespmem:$0x16400] =	vst v63  }
0xfd: {  	s25 =	sadd.s32 $0x1, s25;
	s26 =	sadd.s32 @!p0 $0x380, s26;
	s28 =	simm.s32 @!p0 $0xC400  }
0xfe: {  	[tilespmem:s28], [sflag:$0x2] =	stream.indirect.gather @!p0 [hbm4b:s3+s29], $0x40, s26, s29, $0xb8;
	[tilespmem:$0x16400] =	vst v63  }
0xff: {  	p0 =	sne.s32 s25, $0x32  }
.Ltmp2:
0x100: {  	_ = 	snop;
	(pc) =	sbr.rel @p0 .LBB2_2-.Ltmp2, $3  }
0x101: {  	_ =	sdelay $0x1  }
0x102: {  	s26 =	sadd.s32 s8, s31  }
0x103: {  	[hbm4b:s26+s18] =	stream.strided.scatter [tilespmem:s21], [sflag:$0x4], $0x4000, s10, s18, $0x38;
	[tilespmem:$0x16400] =	vst v63  }
0x104: {  	s24 =	sadd.s32 $0x1, s24  }
0x105: {  	_ =	swait.ge [sflag:s22], $0x4000;
	p0 =	sne.s32 s24, s7  }
.Ltmp3:
0x106: {  	[sflag:s22] =	ssyncset.done $0x0;
	(pc) =	sbr.rel @p0 .LBB2_1-.Ltmp3, $4  }
0x107: {  	[sflag:s22] =	ssyncadd.s32 $0xFFFFC000  }
0x108: {  	_ =	swait.ge [sflag:s23], $0x4000  }
0x109: {  	[sflag:s23] =	ssyncset.done $0x0  }
0x10a: {  	[sflag:s23] =	ssyncadd.s32 $0xFFFFC000  }
0x10b: {  	_ =	sfence.sel $0x180000  }
0x10c: {  	[bflag:$0x0] =	sbarrier.arrive $0xFFFF  }
0x10d: {  	p0 =	sne.s32 s0, $0x0;
	_ =	strace $0x90000047  }
0x10e: {  	s0 =	sadd.s32 @!p0 $0x100000, s1;
	[bflag:$0x2] =	sbarrier.arrive $0xFFFF  }
0x10f: {  	[sflag:s0] =	ssyncadd.tile.s32 @!p0 $0x1;
	_ =	shalt  }
.Lfunc_end2:
_tile_overlayer_lowered:
.L_overlay_start_2:
0x110: {  	(tag) =	ssettag $0x2  }
0x111: {  	s0 =	rddreg [dreg:$0x0];
	s2 =	stileid.u32  }
0x112: {  	s1 =	rddreg [dreg:$0x1];
	p0 =	sne.s32 s2, $0x0  }
0x113: {  	s3 =	rddreg [dreg:$0x2];
	[bflag:$0x3] =	sbarrier.arrive $0xFFFF;
	s2 =	simm.s32 @!p0 $0x1C05  }
0x114: {  	[timem:s3], [sflag:s2] =	dma.local @!p0 [hbm:s0], s1  }
0x115: {  	s0 =	simm.s32 @!p0 $0x5  }
0x116: {  	_ =	swait.ge @!p0 [sflag:s0], s1  }
0x117: {  	s1 =	ssub.s32 @!p0 $0x0, s1;
	[sflag:s0] =	ssyncset.done @!p0 $0x0  }
0x118: {  	[sflag:s0] =	ssyncadd.s32 @!p0 s1  }
0x119: {  	[bflag:$0x3] =	sbarrier.arrive $0xFFFF  }
0x11a: {  	_ =	shalt  }

// kernel: sparse-core-data-format-call.cloned.1.call-start
scs
called_computation_lowered:
.L_overlay_start_0:
0x0: {  	s2 =	sld [smem:$0x3FD9]  }
0x1: {  	s3 =	sld [smem:$0x3FFE];
	_ =	sdelay $0x1  }
0x2: {  	s1 =	srdreg.scid  }
0x3: {  	s0 =	sand.u32 $0x1, s1  }
0x4: {  	s18 =	sshll.u32 s0, $0xA;
	s2 =	sadd.s32 s3, s2  }
0x5: {  	s2 =	sadd.s32 s2, s18  }
0x6: {  	[smem:$0x3FC6] =	sst s2  }
0x7: {  	_ = 	snop  }
0x8: {  	s2 =	sld [smem:$0x3FD0];
	(tm) =	ssettm $0x1  }
0x9: {  	s19 =	sld [smem:$0x3FFB];
	_ =	sdelay $0x3  }
0xa: {  	_ =	strace s19  }
0xb: {  	s3 =	sld [smem:$0x3FFC];
	_ =	sdelay $0x3  }
0xc: {  	_ =	strace s3  }
0xd: {  	s3 =	sld [smem:$0x3FFD];
	_ =	sdelay $0x3  }
0xe: {  	_ =	strace s3  }
0xf: {  	_ =	strace $0x8FFFFFFF  }
0x10: {  	s20 =	sld [smem:$0x3FDB];
	_ =	sdelay $0x1  }
0x11: {  	s4 =	simm.s32 $_scs_section_size  }
0x12: {  	s5 =	simm.s32 $_size__tile_overlayer_lowered;
	s6 =	simm.s32 $_tile_overlayer_lowered  }
0x13: {  	s23 =	simm.s32 $0x1BFF;
	s22 =	sshll.u32 s6, $0x1;
	s3 =	sadd.s32 s4, s20  }
0x14: {  	s7 =	simm.s32 $0x0;
	s21 =	sshll.u32 s5, $0x1;
	s5 =	sadd.s32 s22, s3  }
0x15: {  	[timem:s7], [sflag:s23] =	dma.local [hbm:s5], s21  }
0x16: {  	_ =	swait.ge [sflag:s23], s21  }
0x17: {  	s4 =	ssub.s32 $0x0, s21;
	[sflag:s23] =	ssyncset.done $0x0  }
0x18: {  	[sflag:s23] =	ssyncadd.s32 s4;
	_ =	sdelay $0x1  }
0x19: {  	s24 =	simm.s32 $0x1B8B  }
0x1a: {  	_ =	swait.ge [sflag:s24], $0x1  }
0x1b: {  	[sflag:s24] =	ssyncset.done $0x0  }
0x1c: {  	s26 =	simm.s32 $0x1B8E;
	s25 =	sld [smem:$0x3FFE];
	[sflag:s24] =	ssyncadd.s32 $0xFFFFFFFF  }
0x1d: {  	s27 =	simm.s32 $execute0_lowered;
	[smem:$0x3FD2] =	sst s26  }
0x1e: {  	s5 =	sshll.u32 s27, $0x1;
	_ =	strace $0x80000049;
	[dreg:$0x1] =	wrdreg $0xFFFFFFFF  }
0x1f: {  	s28 =	simm.s32 $_size_execute0_lowered;
	s3 =	sadd.s32 s3, s5;
	[dreg:$0x0] =	wrdreg $0x0  }
0x20: {  	s5 =	sshll.u32 s28, $0x1;
	[dreg:$0x2] =	wrdreg s3  }
0x21: {  	[dreg:$0x3] =	wrdreg s5  }
0x22: {  	[dreg:$0x4] =	wrdreg $0xC0  }
0x23: {  	_ =	task [dreg:s7], $0x5FFFF  }
0x24: {  	[dreg:$0x1] =	wrdreg $0xFFFFFFFF  }
0x25: {  	[dreg:$0x0] =	wrdreg $0x60  }
0x26: {  	[dreg:$0x2] =	wrdreg s25  }
0x27: {  	[dreg:$0x3] =	wrdreg s2  }
0x28: {  	[dreg:$0x4] =	wrdreg $0x9  }
0x29: {  	_ =	task.clear_ibuf [dreg:s7], $0x5FFFF;
	_ =	strace $0x90000049  }
0x2a: {  	s29 =	simm.s32 $0x9;
	_ =	strace $0x8000004B  }
0x2b: {  	_ =	swait.ge [sflag:s29], $0x1  }
0x2c: {  	[sflag:s29] =	ssyncadd.s32 $0xFFFFFFFF  }
0x2d: {  	_ =	strace $0x9000004B  }
0x2e: {  	_ =	sfence  }
0x2f: {  	s30 =	sld [smem:$0x0];
	_ =	sdelay $0x2  }
0x30: {  	s31 =	sshll.u32 s1, $0xD;
	s1 =	sshrl.u32 s1, $0x2  }
0x31: {  	s3 =	sand.u32 $0x4000, s31;
	s1 =	sadd.s32 s1, s30  }
0x32: {  	s0 =	sor.u32 s3, s0;
	s1 =	sshll.u32 s1, $0x11  }
0x33: {  	s0 =	sor.u32 s1, s0  }
0x34: {  	s0 =	sadd.s32 $0x8F2B, s0  }
0x35: {  	[sflag:s0] =	ssyncadd.remote.s32 $0x1  }
0x36: {  	_ =	sfence.sel $0xFFFF  }
0x37: {  	[dreg:$0x0] =	wrdreg $0xFFFFFFFF;
	(pc) =	sbr.abs _section_cstart, $3  }
0x38: {  	[dreg:$0x1] =	wrdreg $0xFFFFFFFF  }
0x39: {  	_ =	task.clear_ibuf [dreg:s7], $0x2FFFF;
	_ =	strace $0x9FFFFFFF  }
0x3a: {  	(tm) =	ssettm $0x7FFFFFFF  }
0x3b: {  	_ =	shalt  }
tec
execute0_lowered:
.L_overlay_start_1:
0x0: {  	(tag) =	ssettag $0x1  }
0x1: {  	s0 =	srdreg.scid  }
0x2: {  	s1 =	sshll.u32 s0, $0x4  }
0x3: {  	s0 =	stileid.u32;
	s1 =	sand.u32 $0x10, s1  }
0x4: {  	s1 =	sor.u32 s0, s1  }
0x5: {  	s6 =	rddreg [dreg:$0x0];
	s4 =	simm.s32 $0x1;
	s2 =	sshll.u32 s1, $0x7  }
0x6: {  	s7 =	simm.s32 $0x2;
	s12 =	simm.s32 $0x0;
	s1 =	ssub.s32 $0x1000, s2  }
0x7: {  	s8 =	simm.s32 $0x8000;
	s13 =	simm.s32 $0x0;
	s3 =	sand.u32 $0xF80, s1  }
0x8: {  	s9 =	simm.s32 $0x0;
	s5 =	sshrl.u32 s1, $0xC;
	p0 =	sne.s32 s3, $0x0  }
.Ltmp0:
0x9: {  	s1 =	rddreg [dreg:$0x2];
	s4 =	simm.s32 @!p0 $0x0;
	(pc) =	sbr.rel .LBB1_1-.Ltmp0, $4  }
0xa: {  	s11 =	simm.s32 $0x0;
	s3 =	rddreg [dreg:$0x1];
	s5 =	sadd.s32 s4, s5  }
0xb: {  	_ =	strace $0x8000004A;
	s4 =	simm.s32 $0x1;
	s5 =	smul.u32 $0xC8, s5  }
0xc: {  	s6 =	sadd.s32 $0xA00, s6;
	s10 =	smov.u32 s2;
	[sflag:s4] =	ssyncpa.u1 $0x0  }
0xd: {  	p0 =	por $0x0, $0x0;
	[sflag:s7] =	ssyncpa.u1 $0x0;
	s7 =	sor.u32 $0x1, s5  }
.LBB1_4:
0xe: {  	s16 =	sshll.u32 s13, $0x3;
	s17 =	sand.u32 $0x78, s13  }
0xf: {  	s30 =	sand.u32 $0x7E00, s13;
	s12 =	sshll.u32 s12, $0xF;
	s16 =	sand.u32 $0xC00, s16  }
0x10: {  	[tilespmem:s15+$0x810 ss:$0x81] =	vst.msk $0xffff, v2;
	s31 =	sand.u32 $0x7, s13;
	s16 =	sor.u32 s17, s16;
	s17 =	sadd.s32 s3, s30  }
0x11: {  	[tilespmem:s15+$0x1020 ss:$0x81] =	vst.msk $0xffff, v0;
	s13 =	sshll.u32 s31, $0x12;
	s12 =	sadd.s32 s12, s17;
	s16 =	sshrl.u32 s16, $0x3  }
0x12: {  	[tilespmem:s15+$0x0 ss:$0x81] =	vst.msk $0xffff, v1;
	s13 =	sor.u32 $0x400, s13;
	s12 =	sadd.s32 s16, s12  }
0x13: {  	[hbm4b:s12+s13] =	stream.strided.scatter [tilespmem:s14], [sflag:$0x2], $0x2000, s8, s13, $0x20;
	[tilespmem:$0x8080] =	vst v63  }
.LBB1_5:
0x14: {  	s14 =	sadd.s32 $0x1, s9  }
0x15: {  	s12 =	sadd.s32 $0x1000, s10;
	s16 =	smov.u32 s10;
	p2 =	sgt.s32 s14, $0xC7  }
0x16: {  	s16 =	smov.u32 @p2 s12  }
0x17: {  	s14 =	simm.s32 @p2 $0x0;
	p2 =	sgt.s32 s16, $0xFFF  }
0x18: {  	s16 =	smov.u32 @p2 s2;
	p2 =	sne.s32 s11, s7  }
.Ltmp1:
0x19: {  	p1 =	slt.u32 s11, $0x2;
	(pc) =	sbr.rel @!p2 .LBB1_6-.Ltmp1, $4  }
0x1a: {  	s15 =	simm.s32 @!p1 $0x2  }
0x1b: {  	s13 =	smov.u32 s10;
	p0 =	por !p0, !p0;
	_ =	swait.ge @!p1 [sflag:s15], $0x2000  }
0x1c: {  	s12 =	smov.u32 s9;
	[sflag:s15] =	ssyncset.done @!p1 $0x0;
	s9 =	smov.u32 s14  }
0x1d: {  	s11 =	sadd.s32 $0x1, s11;
	[sflag:s15] =	ssyncadd.s32 @!p1 $0xFFFFE000;
	s10 =	smov.u32 s16  }
.LBB1_1:
0x1e: {  	p1 =	sge.u32 s11, s5  }
0x1f: {  	s14 =	sand.u32 @!p1 $0x1FFFFFF, s9  }
0x20: {  	s15 =	smulhi.u32 @!p1 $0x147AE15, s14;
	_ =	sdelay $0x1  }
0x21: {  	s15 =	smul.u32 @!p1 $0xC8, s15  }
0x22: {  	s16 =	sxor.u32 @!p1 $0xFFFFFFFF, s11;
	s17 =	smul.u32 @!p1 $0xC80, s10  }
0x23: {  	s31 =	sadd.s32 $0xFFFFFFFF, s11;
	s16 =	sshll.u32 @!p1 s16, $0xD;
	s14 =	ssub.s32 @!p1 s14, s15  }
0x24: {  	s15 =	sand.u32 @!p1 $0x2000, s16;
	s16 =	sadd.s32 @!p1 s6, s17;
	s14 =	sshll.u32 @!p1 s14, $0x4  }
0x25: {  	s17 =	simm.s32 @!p1 $0x6400;
	s14 =	sadd.s32 @!p1 s14, s16;
	s16 =	simm.s32 @!p1 $0x40  }
0x26: {  	[tilespmem:s15], [sflag:$0x1] =	stream.strided.gather @!p1 [hbm4b:s14+s16], $0x2000, s17, s16, $0x38;
	[tilespmem:$0x8080] =	vst v63  }
0x27: {  	p1 =	sge.u32 s31, s5  }
.Ltmp2:
0x28: {  	_ = 	snop;
	(pc) =	sbr.rel @p1 .LBB1_5-.Ltmp2, $1  }
0x29: {  	_ =	sdelay $0x3  }
0x2a: {  	s14 =	simm.s32 $0x1  }
0x2b: {  	_ =	swait.ge [sflag:s4], $0x2000;
	s14 =	simm.s32 @!p0 $0x0  }
0x2c: {  	[sflag:s4] =	ssyncset.done $0x0;
	s15 =	sshll.u32 s14, $0xD  }
0x2d: {  	[sflag:s4] =	ssyncadd.s32 $0xFFFFE000;
	s18 =	sor.u32 $0x20, s15  }
0x2e: {  	s14 =	smul.u32 $0x8100, s14;
	v3 =	vld [tilespmem:s18+$0x10]  }
0x2f: {  	s30 =	sand.u32 $0x1, s11;
	v2 =	vld [tilespmem:s18+$0xFFFFFFF0]  }
0x30: {  	s15 =	smul.u32 $0x8100, s30;
	s14 =	sshrl.u32 s14, $0x2;
	v0 =	vld [tilespmem:s18+$0x0]  }
0x31: {  	v1 =	vld [tilespmem:s18+$0xFFFFFFE0];
	s16 =	sor.u32 $0x4000, s14  }
0x32: {  	s31 =	sshrl.u32 s15, $0x2;
	s15 =	sadd.s32 $0x0, s16  }
0x33: {  	s17 =	simm.s32 $0x4;
	s18 =	sadd.s32 $0x40, s18;
	s14 =	sor.u32 $0x4000, s31;
	[tilespmem:s15+$0x1830 ss:$0x81] =	vst.msk $0xffff, v3  }
.LBB1_3:
0x34: {  	v3 =	vld [tilespmem:s18+$0x10];
	p1 =	sne.s32 s17, $0x1FC;
	[tilespmem:s15+$0x810 ss:$0x81] =	vst.msk $0xffff, v2;
	s19 =	smov.u32 s17;
	s17 =	sadd.s32 $0x4, s17  }
.Ltmp3:
0x35: {  	v2 =	vld [tilespmem:s18+$0xFFFFFFF0];
	[tilespmem:s15+$0x1020 ss:$0x81] =	vst.msk $0xffff, v0;
	(pc) =	sbr.rel @p1 .LBB1_3-.Ltmp3, $4  }
0x36: {  	v0 =	vld [tilespmem:s18+$0x0];
	[tilespmem:s15+$0x0 ss:$0x81] =	vst.msk $0xffff, v1  }
0x37: {  	s15 =	sshra.s32 s19, $0x2;
	v1 =	vld [tilespmem:s18+$0xFFFFFFE0]  }
0x38: {  	s15 =	sadd.s32 s15, s16  }
0x39: {  	s18 =	sadd.s32 $0x40, s18;
	[tilespmem:s15+$0x1830 ss:$0x81] =	vst.msk $0xffff, v3  }
.Ltmp4:
0x3a: {  	_ = 	snop;
	(pc) =	sbr.rel .LBB1_4-.Ltmp4, $1  }
0x3b: {  	_ =	sdelay $0x3  }
.LBB1_6:
0x3c: {  	_ =	sfence.sel $0x180000  }
0x3d: {  	s2 =	simm.s32 $0x1;
	[bflag:$0x0] =	sbarrier.arrive $0xFFFF  }
0x3e: {  	s31 =	simm.s32 $0x2;
	[sflag:s2] =	ssyncpa.u1 $0x1  }
0x3f: {  	[sflag:s31] =	ssyncpa.u1 $0x1  }
0x40: {  	p0 =	sne.s32 s0, $0x0;
	_ =	strace $0x9000004A  }
0x41: {  	s0 =	sadd.s32 @!p0 $0x100000, s1;
	[bflag:$0x2] =	sbarrier.arrive $0xFFFF  }
0x42: {  	[sflag:s0] =	ssyncadd.tile.s32 @!p0 $0x1;
	_ =	shalt  }
.Lfunc_end1:
_tile_overlayer_lowered:
.L_overlay_start_2:
0x43: {  	(tag) =	ssettag $0x2  }
0x44: {  	s0 =	rddreg [dreg:$0x0];
	s2 =	stileid.u32  }
0x45: {  	s1 =	rddreg [dreg:$0x1];
	p0 =	sne.s32 s2, $0x0  }
0x46: {  	s3 =	rddreg [dreg:$0x2];
	[bflag:$0x3] =	sbarrier.arrive $0xFFFF;
	s2 =	simm.s32 @!p0 $0x1C01  }
0x47: {  	[timem:s3], [sflag:s2] =	dma.local @!p0 [hbm:s0], s1  }
0x48: {  	s0 =	simm.s32 @!p0 $0x1  }
0x49: {  	_ =	swait.ge @!p0 [sflag:s0], s1  }
0x4a: {  	s1 =	ssub.s32 @!p0 $0x0, s1;
	[sflag:s0] =	ssyncset.done @!p0 $0x0  }
0x4b: {  	[sflag:s0] =	ssyncadd.s32 @!p0 s1  }
0x4c: {  	[bflag:$0x3] =	sbarrier.arrive $0xFFFF  }
0x4d: {  	_ =	shalt  }

</sc_bundles>
